<compile_context>
chip_gen: v7x
topology: tpu7x:2x2x1
jax: 0.10.2.dev20260603
libtpu: 0.0.44.dev20260713+nightly
codegen_flags: <defaults>
</compile_context>

<pallas_src>
import functools

import jax
import jax.numpy as jnp
from jax import lax
from jax.experimental import pallas as pl
from jax.experimental.pallas import tpu as pltpu
from jax.experimental.pallas import tpu_sc as plsc

NBINS = 8
ROWS = 32768
COLS = 2048
BLK = 1024
N_TOTAL = ROWS * COLS

NW = 32
L = 16
SC_STAT_ROWS = 8192
RCHUNK = 8
NCHUNK = SC_STAT_ROWS // NW // RCHUNK
TC_STAT_ROWS = ROWS - SC_STAT_ROWS
UNROLL = 8


def _tc_stats_body(x_ref, acc_ref):
    j = pl.program_id(0)

    @pl.when(j == 0)
    def _init():
        acc_ref[...] = jnp.zeros_like(acc_ref)

    blk = x_ref[...]
    g = blk.reshape(BLK // 8, 8, COLS)
    acc_ref[0] += jnp.sum(g, axis=0)
    acc_ref[1] += jnp.sum(g * g, axis=0)


def _sc_stats_body(x_hbm, outs_hbm, outq_hbm, xv0, xv1, sv, qv, si0, si1):
    c = lax.axis_index("c")
    s = lax.axis_index("s")
    wid = s * 2 + c
    base = wid * (SC_STAT_ROWS // NW)
    zero = jnp.zeros((L,), jnp.float32)
    acc0 = tuple(zero for _ in range(2 * UNROLL))

    pltpu.async_copy(x_hbm.at[pl.ds(base, RCHUNK)], xv0, si0)
    pltpu.async_copy(x_hbm.at[pl.ds(base + RCHUNK, RCHUNK)], xv1, si1)

    def accum_chunk(xv, acc):
        def grp(i, a):
            parts = []
            for u in range(UNROLL):
                xg = xv[u, pl.ds(i * L, L)]
                parts.append((a[2 * u] + xg, a[2 * u + 1] + xg * xg))
            return tuple(v for p in parts for v in p)

        return lax.fori_loop(0, COLS // L, grp, acc)

    def stage(cidx, acc, xv, si):
        pltpu.make_async_copy(x_hbm.at[pl.ds(base, RCHUNK)], xv, si).wait()
        acc = accum_chunk(xv, acc)

        @pl.when(cidx + 2 < NCHUNK)
        def _next_in():
            pltpu.async_copy(
                x_hbm.at[pl.ds(base + (cidx + 2) * RCHUNK, RCHUNK)], xv, si)

        return acc

    def pair(g, acc):
        acc = stage(2 * g, acc, xv0, si0)
        acc = stage(2 * g + 1, acc, xv1, si1)
        return acc

    acc = lax.fori_loop(0, NCHUNK // 2, pair, acc0)
    ssum = acc[0]
    ssq = acc[1]
    for u in range(1, UNROLL):
        ssum = ssum + acc[2 * u]
        ssq = ssq + acc[2 * u + 1]
    sv[...] = ssum
    qv[...] = ssq
    pltpu.sync_copy(sv, outs_hbm.at[wid])
    pltpu.sync_copy(qv, outq_hbm.at[wid])


def _tc_map_body(tab_ref, x_ref, o_ref):
    x = x_ref[...]
    a = jnp.full_like(x, tab_ref[1, 0])
    b = jnp.full_like(x, tab_ref[2, 0])
    for k in range(1, NBINS):
        m = x >= tab_ref[0, k]
        a = jnp.where(m, tab_ref[1, k], a)
        b = jnp.where(m, tab_ref[2, k], b)
    o_ref[...] = a * x + b


@jax.jit
def kernel(x, alphas, betas):
    init_alpha = jnp.concatenate([
        jnp.zeros((NBINS // 2,), dtype=jnp.float32),
        jnp.ones((NBINS - NBINS // 2,), dtype=jnp.float32),
    ])
    x2 = x.reshape(ROWS, COLS)

    mesh = plsc.VectorSubcoreMesh(
        core_axis_name="c", subcore_axis_name="s", num_cores=2, num_subcores=16)
    sc_s, sc_q = pl.kernel(
        _sc_stats_body,
        out_type=(jax.ShapeDtypeStruct((NW, L), jnp.float32),
                  jax.ShapeDtypeStruct((NW, L), jnp.float32)),
        mesh=mesh,
        compiler_params=pltpu.CompilerParams(needs_layout_passes=False),
        scratch_types=[
            pltpu.VMEM((RCHUNK, COLS), jnp.float32),
            pltpu.VMEM((RCHUNK, COLS), jnp.float32),
            pltpu.VMEM((L,), jnp.float32),
            pltpu.VMEM((L,), jnp.float32),
            pltpu.SemaphoreType.DMA,
            pltpu.SemaphoreType.DMA,
        ],
    )(x2)

    acc = pl.pallas_call(
        _tc_stats_body,
        grid=(TC_STAT_ROWS // BLK,),
        in_specs=[
            pl.BlockSpec((BLK, COLS), lambda j: (j + SC_STAT_ROWS // BLK, 0))],
        out_specs=pl.BlockSpec((2, 8, COLS), lambda j: (0, 0, 0)),
        out_shape=jax.ShapeDtypeStruct((2, 8, COLS), jnp.float32),
    )(x2)

    n = jnp.float32(N_TOTAL)
    ssum = jnp.sum(acc[0]) + jnp.sum(sc_s)
    ssq = jnp.sum(acc[1]) + jnp.sum(sc_q)
    mean = ssum / n
    var = (ssq - ssum * ssum / n) / (n - 1.0)
    std = jnp.sqrt(var)
    step = 6.0 * std / NBINS
    off = mean - 3.0 * std
    th = off + step * jnp.arange(NBINS, dtype=jnp.float32)
    tab = jnp.stack([th, alphas + init_alpha, betas])

    out = pl.pallas_call(
        _tc_map_body,
        grid=(ROWS // BLK,),
        in_specs=[
            pl.BlockSpec(memory_space=pltpu.SMEM),
            pl.BlockSpec((BLK, COLS), lambda j: (j, 0)),
        ],
        out_specs=pl.BlockSpec((BLK, COLS), lambda j: (j, 0)),
        out_shape=jax.ShapeDtypeStruct((ROWS, COLS), jnp.float32),
    )(tab, x2)
    return out.reshape(x.shape)

# --- scband reference (transcript-rebuilt; emitter-appended) ---
"""Pipeline reference for scband-lma-3547642987367 (READ-ONLY COPY).

The authoritative reference and input builder live on the scoring server;
editing this copy changes nothing except your own understanding.
"""

import jax, jax.numpy as jnp
import numpy as np

NUM_BINS = 8

def setup_inputs(seed: int = 0) -> dict:
    key = jax.random.key(seed)
    x = jax.random.normal(key, (4, 8192, 2048), dtype=jnp.float32)
    alphas = jnp.zeros((NUM_BINS,), dtype=jnp.float32)
    betas = jnp.zeros((NUM_BINS,), dtype=jnp.float32)
    return {"x": x, "alphas": alphas, "betas": betas}

def reference(x, alphas, betas):
    num_bins = NUM_BINS
    init_alpha = jnp.concatenate([
        jnp.zeros((num_bins // 2,), dtype=jnp.float32),
        jnp.ones((num_bins - num_bins // 2,), dtype=jnp.float32),
    ])
    # training-mode path: batch statistics, detached
    mean = jax.lax.stop_gradient(jnp.mean(x))
    std = jax.lax.stop_gradient(jnp.std(x, ddof=1))  # torch.std is unbiased
    step = 6.0 * std / num_bins
    # torch .long() truncates toward zero; astype(int32) matches for these values
    idx = jnp.clip(((x - mean + 3.0 * std) / step).astype(jnp.int32), 0, num_bins - 1).reshape(-1)
    a = jnp.take(alphas + init_alpha, idx, axis=0).reshape(x.shape)
    b = jnp.take(betas, idx, axis=0).reshape(x.shape)
    return a * x + b

if __name__ == "__main__":
    import jax
    _d = setup_inputs()
    print(jax.jit(kernel)(*tuple(_d.values())))

</pallas_src>

<mosaic_0001>
#map = affine_map<(d0, d1) -> (0, 0)>
module attributes {stable_mosaic.version = 14 : i64} {
  func.func @_sc_stats_body(%arg0: i32, %arg1: i32, %arg2: memref<32768x2048xf32, #tpu.memory_space<hbm>>, %arg3: memref<32x16xf32, #tpu.memory_space<hbm>>, %arg4: memref<32x16xf32, #tpu.memory_space<hbm>>, %arg5: memref<8x2048xf32, #tpu.memory_space<vmem>>, %arg6: memref<8x2048xf32, #tpu.memory_space<vmem>>, %arg7: memref<16xf32, #tpu.memory_space<vmem>>, %arg8: memref<16xf32, #tpu.memory_space<vmem>>, %arg9: memref<!tpu.dma_semaphore, #tpu.memory_space<semaphore_mem>>, %arg10: memref<!tpu.dma_semaphore, #tpu.memory_space<semaphore_mem>>) attributes {dimension_semantics = [#tpu.dimension_semantics<core_parallel>, #tpu.dimension_semantics<subcore_parallel>], iteration_bounds = array<i64: 2, 16>, scalar_prefetch = 0 : i64, scratch_operands = 6 : i64, tpu.core_type = #tpu.core_type<sc_vector_subcore>, window_params = [{transform_indices = #map}, {transform_indices = #map}, {transform_indices = #map}]} {
    %mul3A = arith.constant 2 : i32
    %mul3A_0 = arith.muli %arg1, %mul3A : i32
    %add3A = arith.addi %mul3A_0, %arg0 : i32
    %mul3A_1 = arith.constant 256 : i32
    %mul3A_2 = arith.muli %add3A, %mul3A_1 : i32
    %broadcast_in_dim3A = arith.constant 0.000000e+00 : f32
    %broadcast_in_dim3A_3 = vector.broadcast %broadcast_in_dim3A : f32 to vector<16xf32>
    %dma_start3A = arith.constant 0 : i32
    %dma_start3A_4 = tpu.memref_slice %arg2[%mul3A_2, %dma_start3A] : memref<32768x2048xf32, #tpu.memory_space<hbm>> -> memref<8x2048xf32, #tpu.memory_space<hbm>>
    %dma_start3A_5 = arith.constant 0 : i32
    %dma_start3A_6 = tpu.memref_slice %arg2[%mul3A_2, %dma_start3A_5] : memref<32768x2048xf32, #tpu.memory_space<hbm>> -> memref<8x2048xf32, #tpu.memory_space<hbm>>
    tpu.enqueue_dma source(%dma_start3A_6 : memref<8x2048xf32, #tpu.memory_space<hbm>>) target(%arg5 : memref<8x2048xf32, #tpu.memory_space<vmem>>) target_semaphore(%arg9 : memref<!tpu.dma_semaphore, #tpu.memory_space<semaphore_mem>>)
    %add3A_7 = arith.constant 8 : i32
    %add3A_8 = arith.addi %mul3A_2, %add3A_7 : i32
    %dma_start3A_9 = arith.constant 0 : i32
    %dma_start3A_10 = tpu.memref_slice %arg2[%add3A_8, %dma_start3A_9] : memref<32768x2048xf32, #tpu.memory_space<hbm>> -> memref<8x2048xf32, #tpu.memory_space<hbm>>
    %dma_start3A_11 = arith.constant 0 : i32
    %dma_start3A_12 = tpu.memref_slice %arg2[%add3A_8, %dma_start3A_11] : memref<32768x2048xf32, #tpu.memory_space<hbm>> -> memref<8x2048xf32, #tpu.memory_space<hbm>>
    tpu.enqueue_dma source(%dma_start3A_12 : memref<8x2048xf32, #tpu.memory_space<hbm>>) target(%arg6 : memref<8x2048xf32, #tpu.memory_space<vmem>>) target_semaphore(%arg10 : memref<!tpu.dma_semaphore, #tpu.memory_space<semaphore_mem>>)
    %scan3A = arith.constant 0 : i32
    %scan3A_13 = arith.constant 16 : i32
    %scan3A_14 = arith.addi %scan3A, %scan3A_13 : i32
    %scan3A_15 = arith.constant 1 : i32
    %scan3A_16:16 = scf.for %scan3A_35 = %scan3A to %scan3A_14 step %scan3A_15 iter_args(%scan3A_36 = %broadcast_in_dim3A_3, %scan3A_37 = %broadcast_in_dim3A_3, %scan3A_38 = %broadcast_in_dim3A_3, %scan3A_39 = %broadcast_in_dim3A_3, %scan3A_40 = %broadcast_in_dim3A_3, %scan3A_41 = %broadcast_in_dim3A_3, %scan3A_42 = %broadcast_in_dim3A_3, %scan3A_43 = %broadcast_in_dim3A_3, %scan3A_44 = %broadcast_in_dim3A_3, %scan3A_45 = %broadcast_in_dim3A_3, %scan3A_46 = %broadcast_in_dim3A_3, %scan3A_47 = %broadcast_in_dim3A_3, %scan3A_48 = %broadcast_in_dim3A_3, %scan3A_49 = %broadcast_in_dim3A_3, %scan3A_50 = %broadcast_in_dim3A_3, %scan3A_51 = %broadcast_in_dim3A_3) -> (vector<16xf32>, vector<16xf32>, vector<16xf32>, vector<16xf32>, vector<16xf32>, vector<16xf32>, vector<16xf32>, vector<16xf32>, vector<16xf32>, vector<16xf32>, vector<16xf32>, vector<16xf32>, vector<16xf32>, vector<16xf32>, vector<16xf32>, vector<16xf32>)  : i32 {
      %mul3A_52 = arith.constant 2 : i32
      %mul3A_53 = arith.muli %mul3A_52, %scan3A_35 : i32
      %dma_wait3A = arith.constant 0 : i32
      %dma_wait3A_54 = tpu.memref_slice %arg2[%mul3A_2, %dma_wait3A] : memref<32768x2048xf32, #tpu.memory_space<hbm>> -> memref<8x2048xf32, #tpu.memory_space<hbm>>
      %dma_wait3A_55 = arith.constant 0 : i32
      %dma_wait3A_56 = tpu.memref_slice %arg2[%mul3A_2, %dma_wait3A_55] : memref<32768x2048xf32, #tpu.memory_space<hbm>> -> memref<8x2048xf32, #tpu.memory_space<hbm>>
      tpu.wait_dma2 semaphore(%arg9 : memref<!tpu.dma_semaphore, #tpu.memory_space<semaphore_mem>>) src(%dma_wait3A_56 : memref<8x2048xf32, #tpu.memory_space<hbm>>) dst(%arg5 : memref<8x2048xf32, #tpu.memory_space<vmem>>)
      %scan3A_57 = arith.constant 0 : i32
      %scan3A_58 = arith.constant 128 : i32
      %scan3A_59 = arith.addi %scan3A_57, %scan3A_58 : i32
      %scan3A_60 = arith.constant 1 : i32
      %scan3A_61:16 = scf.for %scan3A_88 = %scan3A_57 to %scan3A_59 step %scan3A_60 iter_args(%scan3A_89 = %scan3A_36, %scan3A_90 = %scan3A_37, %scan3A_91 = %scan3A_38, %scan3A_92 = %scan3A_39, %scan3A_93 = %scan3A_40, %scan3A_94 = %scan3A_41, %scan3A_95 = %scan3A_42, %scan3A_96 = %scan3A_43, %scan3A_97 = %scan3A_44, %scan3A_98 = %scan3A_45, %scan3A_99 = %scan3A_46, %scan3A_100 = %scan3A_47, %scan3A_101 = %scan3A_48, %scan3A_102 = %scan3A_49, %scan3A_103 = %scan3A_50, %scan3A_104 = %scan3A_51) -> (vector<16xf32>, vector<16xf32>, vector<16xf32>, vector<16xf32>, vector<16xf32>, vector<16xf32>, vector<16xf32>, vector<16xf32>, vector<16xf32>, vector<16xf32>, vector<16xf32>, vector<16xf32>, vector<16xf32>, vector<16xf32>, vector<16xf32>, vector<16xf32>)  : i32 {
        %mul3A_105 = arith.constant 16 : i32
        %mul3A_106 = arith.muli %scan3A_88, %mul3A_105 : i32
        %get3A = arith.constant 0 : i32
        %get3A_107 = arith.index_cast %get3A : i32 to index
        %get3A_108 = arith.index_cast %mul3A_106 : i32 to index
        %get3A_109 = tpu.vector_load %arg5[%get3A_107, %get3A_108] {strides = array<i32>} : memref<8x2048xf32, #tpu.memory_space<vmem>>, vector<16xf32>,
        %add3A_110 = arith.addf %scan3A_89, %get3A_109 : vector<16xf32>
        %mul3A_111 = arith.mulf %get3A_109, %get3A_109 : vector<16xf32>
        %add3A_112 = arith.addf %scan3A_90, %mul3A_111 : vector<16xf32>
        %mul3A_113 = arith.constant 16 : i32
        %mul3A_114 = arith.muli %scan3A_88, %mul3A_113 : i32
        %get3A_115 = arith.constant 1 : i32
        %get3A_116 = arith.index_cast %get3A_115 : i32 to index
        %get3A_117 = arith.index_cast %mul3A_114 : i32 to index
        %get3A_118 = tpu.vector_load %arg5[%get3A_116, %get3A_117] {strides = array<i32>} : memref<8x2048xf32, #tpu.memory_space<vmem>>, vector<16xf32>,
        %add3A_119 = arith.addf %scan3A_91, %get3A_118 : vector<16xf32>
        %mul3A_120 = arith.mulf %get3A_118, %get3A_118 : vector<16xf32>
        %add3A_121 = arith.addf %scan3A_92, %mul3A_120 : vector<16xf32>
        %mul3A_122 = arith.constant 16 : i32
        %mul3A_123 = arith.muli %scan3A_88, %mul3A_122 : i32
        %get3A_124 = arith.constant 2 : i32
        %get3A_125 = arith.index_cast %get3A_124 : i32 to index
        %get3A_126 = arith.index_cast %mul3A_123 : i32 to index
        %get3A_127 = tpu.vector_load %arg5[%get3A_125, %get3A_126] {strides = array<i32>} : memref<8x2048xf32, #tpu.memory_space<vmem>>, vector<16xf32>,
        %add3A_128 = arith.addf %scan3A_93, %get3A_127 : vector<16xf32>
        %mul3A_129 = arith.mulf %get3A_127, %get3A_127 : vector<16xf32>
        %add3A_130 = arith.addf %scan3A_94, %mul3A_129 : vector<16xf32>
        %mul3A_131 = arith.constant 16 : i32
        %mul3A_132 = arith.muli %scan3A_88, %mul3A_131 : i32
        %get3A_133 = arith.constant 3 : i32
        %get3A_134 = arith.index_cast %get3A_133 : i32 to index
        %get3A_135 = arith.index_cast %mul3A_132 : i32 to index
        %get3A_136 = tpu.vector_load %arg5[%get3A_134, %get3A_135] {strides = array<i32>} : memref<8x2048xf32, #tpu.memory_space<vmem>>, vector<16xf32>,
        %add3A_137 = arith.addf %scan3A_95, %get3A_136 : vector<16xf32>
        %mul3A_138 = arith.mulf %get3A_136, %get3A_136 : vector<16xf32>
        %add3A_139 = arith.addf %scan3A_96, %mul3A_138 : vector<16xf32>
        %mul3A_140 = arith.constant 16 : i32
        %mul3A_141 = arith.muli %scan3A_88, %mul3A_140 : i32
        %get3A_142 = arith.constant 4 : i32
        %get3A_143 = arith.index_cast %get3A_142 : i32 to index
        %get3A_144 = arith.index_cast %mul3A_141 : i32 to index
        %get3A_145 = tpu.vector_load %arg5[%get3A_143, %get3A_144] {strides = array<i32>} : memref<8x2048xf32, #tpu.memory_space<vmem>>, vector<16xf32>,
        %add3A_146 = arith.addf %scan3A_97, %get3A_145 : vector<16xf32>
        %mul3A_147 = arith.mulf %get3A_145, %get3A_145 : vector<16xf32>
        %add3A_148 = arith.addf %scan3A_98, %mul3A_147 : vector<16xf32>
        %mul3A_149 = arith.constant 16 : i32
        %mul3A_150 = arith.muli %scan3A_88, %mul3A_149 : i32
        %get3A_151 = arith.constant 5 : i32
        %get3A_152 = arith.index_cast %get3A_151 : i32 to index
        %get3A_153 = arith.index_cast %mul3A_150 : i32 to index
        %get3A_154 = tpu.vector_load %arg5[%get3A_152, %get3A_153] {strides = array<i32>} : memref<8x2048xf32, #tpu.memory_space<vmem>>, vector<16xf32>,
        %add3A_155 = arith.addf %scan3A_99, %get3A_154 : vector<16xf32>
        %mul3A_156 = arith.mulf %get3A_154, %get3A_154 : vector<16xf32>
        %add3A_157 = arith.addf %scan3A_100, %mul3A_156 : vector<16xf32>
        %mul3A_158 = arith.constant 16 : i32
        %mul3A_159 = arith.muli %scan3A_88, %mul3A_158 : i32
        %get3A_160 = arith.constant 6 : i32
        %get3A_161 = arith.index_cast %get3A_160 : i32 to index
        %get3A_162 = arith.index_cast %mul3A_159 : i32 to index
        %get3A_163 = tpu.vector_load %arg5[%get3A_161, %get3A_162] {strides = array<i32>} : memref<8x2048xf32, #tpu.memory_space<vmem>>, vector<16xf32>,
        %add3A_164 = arith.addf %scan3A_101, %get3A_163 : vector<16xf32>
        %mul3A_165 = arith.mulf %get3A_163, %get3A_163 : vector<16xf32>
        %add3A_166 = arith.addf %scan3A_102, %mul3A_165 : vector<16xf32>
        %mul3A_167 = arith.constant 16 : i32
        %mul3A_168 = arith.muli %scan3A_88, %mul3A_167 : i32
        %get3A_169 = arith.constant 7 : i32
        %get3A_170 = arith.index_cast %get3A_169 : i32 to index
        %get3A_171 = arith.index_cast %mul3A_168 : i32 to index
        %get3A_172 = tpu.vector_load %arg5[%get3A_170, %get3A_171] {strides = array<i32>} : memref<8x2048xf32, #tpu.memory_space<vmem>>, vector<16xf32>,
        %add3A_173 = arith.addf %scan3A_103, %get3A_172 : vector<16xf32>
        %mul3A_174 = arith.mulf %get3A_172, %get3A_172 : vector<16xf32>
        %add3A_175 = arith.addf %scan3A_104, %mul3A_174 : vector<16xf32>
        scf.yield %add3A_110, %add3A_112, %add3A_119, %add3A_121, %add3A_128, %add3A_130, %add3A_137, %add3A_139, %add3A_146, %add3A_148, %add3A_155, %add3A_157, %add3A_164, %add3A_166, %add3A_173, %add3A_175 : vector<16xf32>, vector<16xf32>, vector<16xf32>, vector<16xf32>, vector<16xf32>, vector<16xf32>, vector<16xf32>, vector<16xf32>, vector<16xf32>, vector<16xf32>, vector<16xf32>, vector<16xf32>, vector<16xf32>, vector<16xf32>, vector<16xf32>, vector<16xf32>
      }
      %scan3A_62 = arith.constant 128 : i32
      %add3A_63 = arith.constant 2 : i32
      %add3A_64 = arith.addi %mul3A_53, %add3A_63 : i32
      %lt3A = arith.constant 32 : i32
      %lt3A_65 = arith.cmpi slt, %add3A_64, %lt3A : i32
      %convert_element_type3A = arith.extui %lt3A_65 : i1 to i32
      %cond3A = arith.constant 0 : i32
      %cond3A_66 = arith.cmpi ne, %convert_element_type3A, %cond3A : i32
      scf.if %cond3A_66 {
        %add3A_88 = arith.constant 2 : i32
        %add3A_89 = arith.addi %mul3A_53, %add3A_88 : i32
        %mul3A_90 = arith.constant 8 : i32
        %mul3A_91 = arith.muli %add3A_89, %mul3A_90 : i32
        %add3A_92 = arith.addi %mul3A_2, %mul3A_91 : i32
        %dma_start3A_93 = arith.constant 0 : i32
        %dma_start3A_94 = tpu.memref_slice %arg2[%add3A_92, %dma_start3A_93] : memref<32768x2048xf32, #tpu.memory_space<hbm>> -> memref<8x2048xf32, #tpu.memory_space<hbm>>
        %dma_start3A_95 = arith.constant 0 : i32
        %dma_start3A_96 = tpu.memref_slice %arg2[%add3A_92, %dma_start3A_95] : memref<32768x2048xf32, #tpu.memory_space<hbm>> -> memref<8x2048xf32, #tpu.memory_space<hbm>>
        tpu.enqueue_dma source(%dma_start3A_96 : memref<8x2048xf32, #tpu.memory_space<hbm>>) target(%arg5 : memref<8x2048xf32, #tpu.memory_space<vmem>>) target_semaphore(%arg9 : memref<!tpu.dma_semaphore, #tpu.memory_space<semaphore_mem>>)
      } else {
      }
      %mul3A_67 = arith.constant 2 : i32
      %mul3A_68 = arith.muli %mul3A_67, %scan3A_35 : i32
      %add3A_69 = arith.constant 1 : i32
      %add3A_70 = arith.addi %mul3A_68, %add3A_69 : i32
      %dma_wait3A_71 = arith.constant 0 : i32
      %dma_wait3A_72 = tpu.memref_slice %arg2[%mul3A_2, %dma_wait3A_71] : memref<32768x2048xf32, #tpu.memory_space<hbm>> -> memref<8x2048xf32, #tpu.memory_space<hbm>>
      %dma_wait3A_73 = arith.constant 0 : i32
      %dma_wait3A_74 = tpu.memref_slice %arg2[%mul3A_2, %dma_wait3A_73] : memref<32768x2048xf32, #tpu.memory_space<hbm>> -> memref<8x2048xf32, #tpu.memory_space<hbm>>
      tpu.wait_dma2 semaphore(%arg10 : memref<!tpu.dma_semaphore, #tpu.memory_space<semaphore_mem>>) src(%dma_wait3A_74 : memref<8x2048xf32, #tpu.memory_space<hbm>>) dst(%arg6 : memref<8x2048xf32, #tpu.memory_space<vmem>>)
      %scan3A_75 = arith.constant 0 : i32
      %scan3A_76 = arith.constant 128 : i32
      %scan3A_77 = arith.addi %scan3A_75, %scan3A_76 : i32
      %scan3A_78 = arith.constant 1 : i32
      %scan3A_79:16 = scf.for %scan3A_88 = %scan3A_75 to %scan3A_77 step %scan3A_78 iter_args(%scan3A_89 = %scan3A_61#0, %scan3A_90 = %scan3A_61#1, %scan3A_91 = %scan3A_61#2, %scan3A_92 = %scan3A_61#3, %scan3A_93 = %scan3A_61#4, %scan3A_94 = %scan3A_61#5, %scan3A_95 = %scan3A_61#6, %scan3A_96 = %scan3A_61#7, %scan3A_97 = %scan3A_61#8, %scan3A_98 = %scan3A_61#9, %scan3A_99 = %scan3A_61#10, %scan3A_100 = %scan3A_61#11, %scan3A_101 = %scan3A_61#12, %scan3A_102 = %scan3A_61#13, %scan3A_103 = %scan3A_61#14, %scan3A_104 = %scan3A_61#15) -> (vector<16xf32>, vector<16xf32>, vector<16xf32>, vector<16xf32>, vector<16xf32>, vector<16xf32>, vector<16xf32>, vector<16xf32>, vector<16xf32>, vector<16xf32>, vector<16xf32>, vector<16xf32>, vector<16xf32>, vector<16xf32>, vector<16xf32>, vector<16xf32>)  : i32 {
        %mul3A_105 = arith.constant 16 : i32
        %mul3A_106 = arith.muli %scan3A_88, %mul3A_105 : i32
        %get3A = arith.constant 0 : i32
        %get3A_107 = arith.index_cast %get3A : i32 to index
        %get3A_108 = arith.index_cast %mul3A_106 : i32 to index
        %get3A_109 = tpu.vector_load %arg6[%get3A_107, %get3A_108] {strides = array<i32>} : memref<8x2048xf32, #tpu.memory_space<vmem>>, vector<16xf32>,
        %add3A_110 = arith.addf %scan3A_89, %get3A_109 : vector<16xf32>
        %mul3A_111 = arith.mulf %get3A_109, %get3A_109 : vector<16xf32>
        %add3A_112 = arith.addf %scan3A_90, %mul3A_111 : vector<16xf32>
        %mul3A_113 = arith.constant 16 : i32
        %mul3A_114 = arith.muli %scan3A_88, %mul3A_113 : i32
        %get3A_115 = arith.constant 1 : i32
        %get3A_116 = arith.index_cast %get3A_115 : i32 to index
        %get3A_117 = arith.index_cast %mul3A_114 : i32 to index
        %get3A_118 = tpu.vector_load %arg6[%get3A_116, %get3A_117] {strides = array<i32>} : memref<8x2048xf32, #tpu.memory_space<vmem>>, vector<16xf32>,
        %add3A_119 = arith.addf %scan3A_91, %get3A_118 : vector<16xf32>
        %mul3A_120 = arith.mulf %get3A_118, %get3A_118 : vector<16xf32>
        %add3A_121 = arith.addf %scan3A_92, %mul3A_120 : vector<16xf32>
        %mul3A_122 = arith.constant 16 : i32
        %mul3A_123 = arith.muli %scan3A_88, %mul3A_122 : i32
        %get3A_124 = arith.constant 2 : i32
        %get3A_125 = arith.index_cast %get3A_124 : i32 to index
        %get3A_126 = arith.index_cast %mul3A_123 : i32 to index
        %get3A_127 = tpu.vector_load %arg6[%get3A_125, %get3A_126] {strides = array<i32>} : memref<8x2048xf32, #tpu.memory_space<vmem>>, vector<16xf32>,
        %add3A_128 = arith.addf %scan3A_93, %get3A_127 : vector<16xf32>
        %mul3A_129 = arith.mulf %get3A_127, %get3A_127 : vector<16xf32>
        %add3A_130 = arith.addf %scan3A_94, %mul3A_129 : vector<16xf32>
        %mul3A_131 = arith.constant 16 : i32
        %mul3A_132 = arith.muli %scan3A_88, %mul3A_131 : i32
        %get3A_133 = arith.constant 3 : i32
        %get3A_134 = arith.index_cast %get3A_133 : i32 to index
        %get3A_135 = arith.index_cast %mul3A_132 : i32 to index
        %get3A_136 = tpu.vector_load %arg6[%get3A_134, %get3A_135] {strides = array<i32>} : memref<8x2048xf32, #tpu.memory_space<vmem>>, vector<16xf32>,
        %add3A_137 = arith.addf %scan3A_95, %get3A_136 : vector<16xf32>
        %mul3A_138 = arith.mulf %get3A_136, %get3A_136 : vector<16xf32>
        %add3A_139 = arith.addf %scan3A_96, %mul3A_138 : vector<16xf32>
        %mul3A_140 = arith.constant 16 : i32
        %mul3A_141 = arith.muli %scan3A_88, %mul3A_140 : i32
        %get3A_142 = arith.constant 4 : i32
        %get3A_143 = arith.index_cast %get3A_142 : i32 to index
        %get3A_144 = arith.index_cast %mul3A_141 : i32 to index
        %get3A_145 = tpu.vector_load %arg6[%get3A_143, %get3A_144] {strides = array<i32>} : memref<8x2048xf32, #tpu.memory_space<vmem>>, vector<16xf32>,
        %add3A_146 = arith.addf %scan3A_97, %get3A_145 : vector<16xf32>
        %mul3A_147 = arith.mulf %get3A_145, %get3A_145 : vector<16xf32>
        %add3A_148 = arith.addf %scan3A_98, %mul3A_147 : vector<16xf32>
        %mul3A_149 = arith.constant 16 : i32
        %mul3A_150 = arith.muli %scan3A_88, %mul3A_149 : i32
        %get3A_151 = arith.constant 5 : i32
        %get3A_152 = arith.index_cast %get3A_151 : i32 to index
        %get3A_153 = arith.index_cast %mul3A_150 : i32 to index
        %get3A_154 = tpu.vector_load %arg6[%get3A_152, %get3A_153] {strides = array<i32>} : memref<8x2048xf32, #tpu.memory_space<vmem>>, vector<16xf32>,
        %add3A_155 = arith.addf %scan3A_99, %get3A_154 : vector<16xf32>
        %mul3A_156 = arith.mulf %get3A_154, %get3A_154 : vector<16xf32>
        %add3A_157 = arith.addf %scan3A_100, %mul3A_156 : vector<16xf32>
        %mul3A_158 = arith.constant 16 : i32
        %mul3A_159 = arith.muli %scan3A_88, %mul3A_158 : i32
        %get3A_160 = arith.constant 6 : i32
        %get3A_161 = arith.index_cast %get3A_160 : i32 to index
        %get3A_162 = arith.index_cast %mul3A_159 : i32 to index
        %get3A_163 = tpu.vector_load %arg6[%get3A_161, %get3A_162] {strides = array<i32>} : memref<8x2048xf32, #tpu.memory_space<vmem>>, vector<16xf32>,
        %add3A_164 = arith.addf %scan3A_101, %get3A_163 : vector<16xf32>
        %mul3A_165 = arith.mulf %get3A_163, %get3A_163 : vector<16xf32>
        %add3A_166 = arith.addf %scan3A_102, %mul3A_165 : vector<16xf32>
        %mul3A_167 = arith.constant 16 : i32
        %mul3A_168 = arith.muli %scan3A_88, %mul3A_167 : i32
        %get3A_169 = arith.constant 7 : i32
        %get3A_170 = arith.index_cast %get3A_169 : i32 to index
        %get3A_171 = arith.index_cast %mul3A_168 : i32 to index
        %get3A_172 = tpu.vector_load %arg6[%get3A_170, %get3A_171] {strides = array<i32>} : memref<8x2048xf32, #tpu.memory_space<vmem>>, vector<16xf32>,
        %add3A_173 = arith.addf %scan3A_103, %get3A_172 : vector<16xf32>
        %mul3A_174 = arith.mulf %get3A_172, %get3A_172 : vector<16xf32>
        %add3A_175 = arith.addf %scan3A_104, %mul3A_174 : vector<16xf32>
        scf.yield %add3A_110, %add3A_112, %add3A_119, %add3A_121, %add3A_128, %add3A_130, %add3A_137, %add3A_139, %add3A_146, %add3A_148, %add3A_155, %add3A_157, %add3A_164, %add3A_166, %add3A_173, %add3A_175 : vector<16xf32>, vector<16xf32>, vector<16xf32>, vector<16xf32>, vector<16xf32>, vector<16xf32>, vector<16xf32>, vector<16xf32>, vector<16xf32>, vector<16xf32>, vector<16xf32>, vector<16xf32>, vector<16xf32>, vector<16xf32>, vector<16xf32>, vector<16xf32>
      }
      %scan3A_80 = arith.constant 128 : i32
      %add3A_81 = arith.constant 2 : i32
      %add3A_82 = arith.addi %add3A_70, %add3A_81 : i32
      %lt3A_83 = arith.constant 32 : i32
      %lt3A_84 = arith.cmpi slt, %add3A_82, %lt3A_83 : i32
      %convert_element_type3A_85 = arith.extui %lt3A_84 : i1 to i32
      %cond3A_86 = arith.constant 0 : i32
      %cond3A_87 = arith.cmpi ne, %convert_element_type3A_85, %cond3A_86 : i32
      scf.if %cond3A_87 {
        %add3A_88 = arith.constant 2 : i32
        %add3A_89 = arith.addi %add3A_70, %add3A_88 : i32
        %mul3A_90 = arith.constant 8 : i32
        %mul3A_91 = arith.muli %add3A_89, %mul3A_90 : i32
        %add3A_92 = arith.addi %mul3A_2, %mul3A_91 : i32
        %dma_start3A_93 = arith.constant 0 : i32
        %dma_start3A_94 = tpu.memref_slice %arg2[%add3A_92, %dma_start3A_93] : memref<32768x2048xf32, #tpu.memory_space<hbm>> -> memref<8x2048xf32, #tpu.memory_space<hbm>>
        %dma_start3A_95 = arith.constant 0 : i32
        %dma_start3A_96 = tpu.memref_slice %arg2[%add3A_92, %dma_start3A_95] : memref<32768x2048xf32, #tpu.memory_space<hbm>> -> memref<8x2048xf32, #tpu.memory_space<hbm>>
        tpu.enqueue_dma source(%dma_start3A_96 : memref<8x2048xf32, #tpu.memory_space<hbm>>) target(%arg6 : memref<8x2048xf32, #tpu.memory_space<vmem>>) target_semaphore(%arg10 : memref<!tpu.dma_semaphore, #tpu.memory_space<semaphore_mem>>)
      } else {
      }
      scf.yield %scan3A_79#0, %scan3A_79#1, %scan3A_79#2, %scan3A_79#3, %scan3A_79#4, %scan3A_79#5, %scan3A_79#6, %scan3A_79#7, %scan3A_79#8, %scan3A_79#9, %scan3A_79#10, %scan3A_79#11, %scan3A_79#12, %scan3A_79#13, %scan3A_79#14, %scan3A_79#15 : vector<16xf32>, vector<16xf32>, vector<16xf32>, vector<16xf32>, vector<16xf32>, vector<16xf32>, vector<16xf32>, vector<16xf32>, vector<16xf32>, vector<16xf32>, vector<16xf32>, vector<16xf32>, vector<16xf32>, vector<16xf32>, vector<16xf32>, vector<16xf32>
    }
    %scan3A_17 = arith.constant 16 : i32
    %add3A_18 = arith.addf %scan3A_16#0, %scan3A_16#2 : vector<16xf32>
    %add3A_19 = arith.addf %scan3A_16#1, %scan3A_16#3 : vector<16xf32>
    %add3A_20 = arith.addf %add3A_18, %scan3A_16#4 : vector<16xf32>
    %add3A_21 = arith.addf %add3A_19, %scan3A_16#5 : vector<16xf32>
    %add3A_22 = arith.addf %add3A_20, %scan3A_16#6 : vector<16xf32>
    %add3A_23 = arith.addf %add3A_21, %scan3A_16#7 : vector<16xf32>
    %add3A_24 = arith.addf %add3A_22, %scan3A_16#8 : vector<16xf32>
    %add3A_25 = arith.addf %add3A_23, %scan3A_16#9 : vector<16xf32>
    %add3A_26 = arith.addf %add3A_24, %scan3A_16#10 : vector<16xf32>
    %add3A_27 = arith.addf %add3A_25, %scan3A_16#11 : vector<16xf32>
    %add3A_28 = arith.addf %add3A_26, %scan3A_16#12 : vector<16xf32>
    %add3A_29 = arith.addf %add3A_27, %scan3A_16#13 : vector<16xf32>
    %add3A_30 = arith.addf %add3A_28, %scan3A_16#14 : vector<16xf32>
    %add3A_31 = arith.addf %add3A_29, %scan3A_16#15 : vector<16xf32>
    %swap3A = arith.constant 0 : index
    %swap3A_32 = tpu.vector_load %arg7[%swap3A] {strides = array<i32>} : memref<16xf32, #tpu.memory_space<vmem>>, vector<16xf32>,
    tpu.vector_store %arg7[%swap3A], %add3A_30 {strides = array<i32>} : memref<16xf32, #tpu.memory_space<vmem>>, vector<16xf32>,
    %swap3A_33 = arith.constant 0 : index
    %swap3A_34 = tpu.vector_load %arg8[%swap3A_33] {strides = array<i32>} : memref<16xf32, #tpu.memory_space<vmem>>, vector<16xf32>,
    tpu.vector_store %arg8[%swap3A_33], %add3A_31 {strides = array<i32>} : memref<16xf32, #tpu.memory_space<vmem>>, vector<16xf32>,
    "tpu.region"() ({
      %run_scoped3A = tpu.sem_alloc : memref<!tpu.dma_semaphore, #tpu.memory_space<semaphore_mem>>
      %dma_start3A_35 = arith.constant 0 : i32
      %dma_start3A_36 = tpu.memref_slice %arg3[%add3A, %dma_start3A_35] : memref<32x16xf32, #tpu.memory_space<hbm>> -> memref<1x16xf32, #tpu.memory_space<hbm>>
      %dma_start3A_37 = tpu.memref_squeeze %dma_start3A_36 : memref<1x16xf32, #tpu.memory_space<hbm>> -> memref<16xf32, #tpu.memory_space<hbm>>
      %dma_start3A_38 = arith.constant 0 : i32
      %dma_start3A_39 = tpu.memref_slice %arg3[%add3A, %dma_start3A_38] : memref<32x16xf32, #tpu.memory_space<hbm>> -> memref<1x16xf32, #tpu.memory_space<hbm>>
      %dma_start3A_40 = tpu.memref_squeeze %dma_start3A_39 : memref<1x16xf32, #tpu.memory_space<hbm>> -> memref<16xf32, #tpu.memory_space<hbm>>
      tpu.enqueue_dma source(%arg7 : memref<16xf32, #tpu.memory_space<vmem>>) target(%dma_start3A_40 : memref<16xf32, #tpu.memory_space<hbm>>) target_semaphore(%run_scoped3A : memref<!tpu.dma_semaphore, #tpu.memory_space<semaphore_mem>>)
      %dma_wait3A = arith.constant 0 : i32
      %dma_wait3A_41 = tpu.memref_slice %arg3[%add3A, %dma_wait3A] : memref<32x16xf32, #tpu.memory_space<hbm>> -> memref<1x16xf32, #tpu.memory_space<hbm>>
      %dma_wait3A_42 = tpu.memref_squeeze %dma_wait3A_41 : memref<1x16xf32, #tpu.memory_space<hbm>> -> memref<16xf32, #tpu.memory_space<hbm>>
      %dma_wait3A_43 = arith.constant 0 : i32
      %dma_wait3A_44 = tpu.memref_slice %arg3[%add3A, %dma_wait3A_43] : memref<32x16xf32, #tpu.memory_space<hbm>> -> memref<1x16xf32, #tpu.memory_space<hbm>>
      %dma_wait3A_45 = tpu.memref_squeeze %dma_wait3A_44 : memref<1x16xf32, #tpu.memory_space<hbm>> -> memref<16xf32, #tpu.memory_space<hbm>>
      tpu.wait_dma2 semaphore(%run_scoped3A : memref<!tpu.dma_semaphore, #tpu.memory_space<semaphore_mem>>) src(%arg7 : memref<16xf32, #tpu.memory_space<vmem>>) dst(%dma_wait3A_45 : memref<16xf32, #tpu.memory_space<hbm>>)
      tpu.yield
    }) : () -> ()
    "tpu.region"() ({
      %run_scoped3A = tpu.sem_alloc : memref<!tpu.dma_semaphore, #tpu.memory_space<semaphore_mem>>
      %dma_start3A_35 = arith.constant 0 : i32
      %dma_start3A_36 = tpu.memref_slice %arg4[%add3A, %dma_start3A_35] : memref<32x16xf32, #tpu.memory_space<hbm>> -> memref<1x16xf32, #tpu.memory_space<hbm>>
      %dma_start3A_37 = tpu.memref_squeeze %dma_start3A_36 : memref<1x16xf32, #tpu.memory_space<hbm>> -> memref<16xf32, #tpu.memory_space<hbm>>
      %dma_start3A_38 = arith.constant 0 : i32
      %dma_start3A_39 = tpu.memref_slice %arg4[%add3A, %dma_start3A_38] : memref<32x16xf32, #tpu.memory_space<hbm>> -> memref<1x16xf32, #tpu.memory_space<hbm>>
      %dma_start3A_40 = tpu.memref_squeeze %dma_start3A_39 : memref<1x16xf32, #tpu.memory_space<hbm>> -> memref<16xf32, #tpu.memory_space<hbm>>
      tpu.enqueue_dma source(%arg8 : memref<16xf32, #tpu.memory_space<vmem>>) target(%dma_start3A_40 : memref<16xf32, #tpu.memory_space<hbm>>) target_semaphore(%run_scoped3A : memref<!tpu.dma_semaphore, #tpu.memory_space<semaphore_mem>>)
      %dma_wait3A = arith.constant 0 : i32
      %dma_wait3A_41 = tpu.memref_slice %arg4[%add3A, %dma_wait3A] : memref<32x16xf32, #tpu.memory_space<hbm>> -> memref<1x16xf32, #tpu.memory_space<hbm>>
      %dma_wait3A_42 = tpu.memref_squeeze %dma_wait3A_41 : memref<1x16xf32, #tpu.memory_space<hbm>> -> memref<16xf32, #tpu.memory_space<hbm>>
      %dma_wait3A_43 = arith.constant 0 : i32
      %dma_wait3A_44 = tpu.memref_slice %arg4[%add3A, %dma_wait3A_43] : memref<32x16xf32, #tpu.memory_space<hbm>> -> memref<1x16xf32, #tpu.memory_space<hbm>>
      %dma_wait3A_45 = tpu.memref_squeeze %dma_wait3A_44 : memref<1x16xf32, #tpu.memory_space<hbm>> -> memref<16xf32, #tpu.memory_space<hbm>>
      tpu.wait_dma2 semaphore(%run_scoped3A : memref<!tpu.dma_semaphore, #tpu.memory_space<semaphore_mem>>) src(%arg8 : memref<16xf32, #tpu.memory_space<vmem>>) dst(%dma_wait3A_45 : memref<16xf32, #tpu.memory_space<hbm>>)
      tpu.yield
    }) : () -> ()
    return
  }
}

module attributes {stable_mosaic.version = 14 : i64} {
  func.func @_tc_stats_body(%arg0: i32, %arg1: memref<1024x2048xf32, #tpu.memory_space<vmem>>, %arg2: memref<2x8x2048xf32, #tpu.memory_space<vmem>>) attributes {dimension_semantics = [#tpu.dimension_semantics<arbitrary>], iteration_bounds = array<i64: 24>, scalar_prefetch = 0 : i64, scratch_operands = 0 : i64, tpu.core_type = #tpu.core_type<tc>, window_params = [{transform_indices = @transform_0, window_bounds = array<i64: 1024, 2048>}, {pipeline_mode = #tpu.pipeline_mode<synchronous>, transform_indices = @transform_1, window_bounds = array<i64: 2, 8, 2048>}]} {
    %eq3A = arith.constant 0 : i32
    %eq3A_0 = arith.cmpi eq, %arg0, %eq3A : i32
    %convert_element_type3A = arith.extui %eq3A_0 : i1 to i32
    %cond3A = arith.constant 0 : i32
    %cond3A_1 = arith.cmpi ne, %convert_element_type3A, %cond3A : i32
    scf.if %cond3A_1 {
      %broadcast_in_dim3A = arith.constant 0.000000e+00 : f32
      %broadcast_in_dim3A_29 = vector.broadcast %broadcast_in_dim3A : f32 to vector<2x8x2048xf32>
      %swap3A_30 = arith.constant 0 : index
      %swap3A_31 = arith.constant 0 : index
      %swap3A_32 = arith.constant 0 : index
      %swap3A_33 = vector.load %arg2[%swap3A_30, %swap3A_31, %swap3A_32] : memref<2x8x2048xf32, #tpu.memory_space<vmem>>, vector<2x8x2048xf32>
      tpu.vector_store %arg2[%swap3A_30, %swap3A_31, %swap3A_32], %broadcast_in_dim3A_29 {strides = array<i32>} : memref<2x8x2048xf32, #tpu.memory_space<vmem>>, vector<2x8x2048xf32>,
    } else {
    }
    %get3A = arith.constant 0 : index
    %get3A_2 = arith.constant 0 : index
    %get3A_3 = vector.load %arg1[%get3A, %get3A_2] : memref<1024x2048xf32, #tpu.memory_space<vmem>>, vector<1024x2048xf32>
    %reshape3A = vector.shape_cast %get3A_3 : vector<1024x2048xf32> to vector<128x8x2048xf32>
    %get3A_4 = arith.constant 0 : index
    %get3A_5 = arith.constant 0 : index
    %get3A_6 = arith.constant 0 : index
    %get3A_7 = vector.load %arg2[%get3A_4, %get3A_5, %get3A_6] : memref<2x8x2048xf32, #tpu.memory_space<vmem>>, vector<1x8x2048xf32>
    %get3A_8 = vector.shape_cast %get3A_7 : vector<1x8x2048xf32> to vector<8x2048xf32>
    %reduce_sum3A = arith.constant dense<0.000000e+00> : vector<8x2048xf32>
    %reduce_sum3A_9 = vector.multi_reduction <add>, %reshape3A, %reduce_sum3A [0] : vector<128x8x2048xf32> to vector<8x2048xf32>
    %add3A = arith.addf %get3A_8, %reduce_sum3A_9 : vector<8x2048xf32>
    %swap3A = arith.constant 0 : index
    %swap3A_10 = arith.constant 0 : index
    %swap3A_11 = arith.constant 0 : index
    %swap3A_12 = vector.load %arg2[%swap3A, %swap3A_10, %swap3A_11] : memref<2x8x2048xf32, #tpu.memory_space<vmem>>, vector<1x8x2048xf32>
    %swap3A_13 = vector.shape_cast %swap3A_12 : vector<1x8x2048xf32> to vector<8x2048xf32>
    %swap3A_14 = vector.shape_cast %add3A : vector<8x2048xf32> to vector<1x8x2048xf32>
    tpu.vector_store %arg2[%swap3A, %swap3A_10, %swap3A_11], %swap3A_14 {strides = array<i32>} : memref<2x8x2048xf32, #tpu.memory_space<vmem>>, vector<1x8x2048xf32>,
    %get3A_15 = arith.constant 1 : index
    %get3A_16 = arith.constant 0 : index
    %get3A_17 = arith.constant 0 : index
    %get3A_18 = vector.load %arg2[%get3A_15, %get3A_16, %get3A_17] : memref<2x8x2048xf32, #tpu.memory_space<vmem>>, vector<1x8x2048xf32>
    %get3A_19 = vector.shape_cast %get3A_18 : vector<1x8x2048xf32> to vector<8x2048xf32>
    %mul3A = arith.mulf %reshape3A, %reshape3A : vector<128x8x2048xf32>
    %reduce_sum3A_20 = arith.constant dense<0.000000e+00> : vector<8x2048xf32>
    %reduce_sum3A_21 = vector.multi_reduction <add>, %mul3A, %reduce_sum3A_20 [0] : vector<128x8x2048xf32> to vector<8x2048xf32>
    %add3A_22 = arith.addf %get3A_19, %reduce_sum3A_21 : vector<8x2048xf32>
    %swap3A_23 = arith.constant 1 : index
    %swap3A_24 = arith.constant 0 : index
    %swap3A_25 = arith.constant 0 : index
    %swap3A_26 = vector.load %arg2[%swap3A_23, %swap3A_24, %swap3A_25] : memref<2x8x2048xf32, #tpu.memory_space<vmem>>, vector<1x8x2048xf32>
    %swap3A_27 = vector.shape_cast %swap3A_26 : vector<1x8x2048xf32> to vector<8x2048xf32>
    %swap3A_28 = vector.shape_cast %add3A_22 : vector<8x2048xf32> to vector<1x8x2048xf32>
    tpu.vector_store %arg2[%swap3A_23, %swap3A_24, %swap3A_25], %swap3A_28 {strides = array<i32>} : memref<2x8x2048xf32, #tpu.memory_space<vmem>>, vector<1x8x2048xf32>,
    return
  }
  func.func @transform_0(%arg0: i32) -> (i32, i32) {
    %add3A = arith.constant 8 : i32
    %add3A_0 = arith.addi %arg0, %add3A : i32
    %c0_i32 = arith.constant 0 : i32
    %c0_i32_1 = arith.constant 0 : i32
    return %add3A_0, %c0_i32 : i32, i32
  }
  func.func @transform_1(%arg0: i32) -> (i32, i32, i32) {
    %c0_i32 = arith.constant 0 : i32
    %c0_i32_0 = arith.constant 0 : i32
    %c0_i32_1 = arith.constant 0 : i32
    %c0_i32_2 = arith.constant 0 : i32
    return %c0_i32, %c0_i32_0, %c0_i32_1 : i32, i32, i32
  }
}

module attributes {stable_mosaic.version = 14 : i64} {
  func.func @_tc_map_body(%arg0: i32, %arg1: memref<3x8xf32, #tpu.memory_space<smem>>, %arg2: memref<1024x2048xf32, #tpu.memory_space<vmem>>, %arg3: memref<1024x2048xf32, #tpu.memory_space<vmem>>) attributes {dimension_semantics = [#tpu.dimension_semantics<arbitrary>], iteration_bounds = array<i64: 32>, scalar_prefetch = 0 : i64, scratch_operands = 0 : i64, tpu.core_type = #tpu.core_type<tc>, window_params = [{transform_indices = @transform_0, window_bounds = array<i64: 3, 8>}, {transform_indices = @transform_1, window_bounds = array<i64: 1024, 2048>}, {transform_indices = @transform_2, window_bounds = array<i64: 1024, 2048>}]} {
    %get3A = arith.constant 0 : index
    %get3A_0 = arith.constant 0 : index
    %get3A_1 = vector.load %arg2[%get3A, %get3A_0] : memref<1024x2048xf32, #tpu.memory_space<vmem>>, vector<1024x2048xf32>
    %get3A_2 = arith.constant 1 : index
    %get3A_3 = arith.constant 0 : index
    %get3A_4 = memref.load %arg1[%get3A_2, %get3A_3] : memref<3x8xf32, #tpu.memory_space<smem>>
    %broadcast_in_dim3A = vector.broadcast %get3A_4 : f32 to vector<1024x2048xf32>
    %get3A_5 = arith.constant 2 : index
    %get3A_6 = arith.constant 0 : index
    %get3A_7 = memref.load %arg1[%get3A_5, %get3A_6] : memref<3x8xf32, #tpu.memory_space<smem>>
    %broadcast_in_dim3A_8 = vector.broadcast %get3A_7 : f32 to vector<1024x2048xf32>
    %get3A_9 = arith.constant 0 : index
    %get3A_10 = arith.constant 1 : index
    %get3A_11 = memref.load %arg1[%get3A_9, %get3A_10] : memref<3x8xf32, #tpu.memory_space<smem>>
    %ge3A = vector.broadcast %get3A_11 : f32 to vector<1024x2048xf32>
    %ge3A_12 = arith.cmpf oge, %get3A_1, %ge3A : vector<1024x2048xf32>
    %get3A_13 = arith.constant 1 : index
    %get3A_14 = arith.constant 1 : index
    %get3A_15 = memref.load %arg1[%get3A_13, %get3A_14] : memref<3x8xf32, #tpu.memory_space<smem>>
    %broadcast_in_dim3A_16 = vector.broadcast %get3A_15 : f32 to vector<1024x2048xf32>
    %select_n3A = arith.select %ge3A_12, %broadcast_in_dim3A_16, %broadcast_in_dim3A : vector<1024x2048xi1>, vector<1024x2048xf32>
    %get3A_17 = arith.constant 2 : index
    %get3A_18 = arith.constant 1 : index
    %get3A_19 = memref.load %arg1[%get3A_17, %get3A_18] : memref<3x8xf32, #tpu.memory_space<smem>>
    %broadcast_in_dim3A_20 = vector.broadcast %get3A_19 : f32 to vector<1024x2048xf32>
    %select_n3A_21 = arith.select %ge3A_12, %broadcast_in_dim3A_20, %broadcast_in_dim3A_8 : vector<1024x2048xi1>, vector<1024x2048xf32>
    %get3A_22 = arith.constant 0 : index
    %get3A_23 = arith.constant 2 : index
    %get3A_24 = memref.load %arg1[%get3A_22, %get3A_23] : memref<3x8xf32, #tpu.memory_space<smem>>
    %ge3A_25 = vector.broadcast %get3A_24 : f32 to vector<1024x2048xf32>
    %ge3A_26 = arith.cmpf oge, %get3A_1, %ge3A_25 : vector<1024x2048xf32>
    %get3A_27 = arith.constant 1 : index
    %get3A_28 = arith.constant 2 : index
    %get3A_29 = memref.load %arg1[%get3A_27, %get3A_28] : memref<3x8xf32, #tpu.memory_space<smem>>
    %broadcast_in_dim3A_30 = vector.broadcast %get3A_29 : f32 to vector<1024x2048xf32>
    %select_n3A_31 = arith.select %ge3A_26, %broadcast_in_dim3A_30, %select_n3A : vector<1024x2048xi1>, vector<1024x2048xf32>
    %get3A_32 = arith.constant 2 : index
    %get3A_33 = arith.constant 2 : index
    %get3A_34 = memref.load %arg1[%get3A_32, %get3A_33] : memref<3x8xf32, #tpu.memory_space<smem>>
    %broadcast_in_dim3A_35 = vector.broadcast %get3A_34 : f32 to vector<1024x2048xf32>
    %select_n3A_36 = arith.select %ge3A_26, %broadcast_in_dim3A_35, %select_n3A_21 : vector<1024x2048xi1>, vector<1024x2048xf32>
    %get3A_37 = arith.constant 0 : index
    %get3A_38 = arith.constant 3 : index
    %get3A_39 = memref.load %arg1[%get3A_37, %get3A_38] : memref<3x8xf32, #tpu.memory_space<smem>>
    %ge3A_40 = vector.broadcast %get3A_39 : f32 to vector<1024x2048xf32>
    %ge3A_41 = arith.cmpf oge, %get3A_1, %ge3A_40 : vector<1024x2048xf32>
    %get3A_42 = arith.constant 1 : index
    %get3A_43 = arith.constant 3 : index
    %get3A_44 = memref.load %arg1[%get3A_42, %get3A_43] : memref<3x8xf32, #tpu.memory_space<smem>>
    %broadcast_in_dim3A_45 = vector.broadcast %get3A_44 : f32 to vector<1024x2048xf32>
    %select_n3A_46 = arith.select %ge3A_41, %broadcast_in_dim3A_45, %select_n3A_31 : vector<1024x2048xi1>, vector<1024x2048xf32>
    %get3A_47 = arith.constant 2 : index
    %get3A_48 = arith.constant 3 : index
    %get3A_49 = memref.load %arg1[%get3A_47, %get3A_48] : memref<3x8xf32, #tpu.memory_space<smem>>
    %broadcast_in_dim3A_50 = vector.broadcast %get3A_49 : f32 to vector<1024x2048xf32>
    %select_n3A_51 = arith.select %ge3A_41, %broadcast_in_dim3A_50, %select_n3A_36 : vector<1024x2048xi1>, vector<1024x2048xf32>
    %get3A_52 = arith.constant 0 : index
    %get3A_53 = arith.constant 4 : index
    %get3A_54 = memref.load %arg1[%get3A_52, %get3A_53] : memref<3x8xf32, #tpu.memory_space<smem>>
    %ge3A_55 = vector.broadcast %get3A_54 : f32 to vector<1024x2048xf32>
    %ge3A_56 = arith.cmpf oge, %get3A_1, %ge3A_55 : vector<1024x2048xf32>
    %get3A_57 = arith.constant 1 : index
    %get3A_58 = arith.constant 4 : index
    %get3A_59 = memref.load %arg1[%get3A_57, %get3A_58] : memref<3x8xf32, #tpu.memory_space<smem>>
    %broadcast_in_dim3A_60 = vector.broadcast %get3A_59 : f32 to vector<1024x2048xf32>
    %select_n3A_61 = arith.select %ge3A_56, %broadcast_in_dim3A_60, %select_n3A_46 : vector<1024x2048xi1>, vector<1024x2048xf32>
    %get3A_62 = arith.constant 2 : index
    %get3A_63 = arith.constant 4 : index
    %get3A_64 = memref.load %arg1[%get3A_62, %get3A_63] : memref<3x8xf32, #tpu.memory_space<smem>>
    %broadcast_in_dim3A_65 = vector.broadcast %get3A_64 : f32 to vector<1024x2048xf32>
    %select_n3A_66 = arith.select %ge3A_56, %broadcast_in_dim3A_65, %select_n3A_51 : vector<1024x2048xi1>, vector<1024x2048xf32>
    %get3A_67 = arith.constant 0 : index
    %get3A_68 = arith.constant 5 : index
    %get3A_69 = memref.load %arg1[%get3A_67, %get3A_68] : memref<3x8xf32, #tpu.memory_space<smem>>
    %ge3A_70 = vector.broadcast %get3A_69 : f32 to vector<1024x2048xf32>
    %ge3A_71 = arith.cmpf oge, %get3A_1, %ge3A_70 : vector<1024x2048xf32>
    %get3A_72 = arith.constant 1 : index
    %get3A_73 = arith.constant 5 : index
    %get3A_74 = memref.load %arg1[%get3A_72, %get3A_73] : memref<3x8xf32, #tpu.memory_space<smem>>
    %broadcast_in_dim3A_75 = vector.broadcast %get3A_74 : f32 to vector<1024x2048xf32>
    %select_n3A_76 = arith.select %ge3A_71, %broadcast_in_dim3A_75, %select_n3A_61 : vector<1024x2048xi1>, vector<1024x2048xf32>
    %get3A_77 = arith.constant 2 : index
    %get3A_78 = arith.constant 5 : index
    %get3A_79 = memref.load %arg1[%get3A_77, %get3A_78] : memref<3x8xf32, #tpu.memory_space<smem>>
    %broadcast_in_dim3A_80 = vector.broadcast %get3A_79 : f32 to vector<1024x2048xf32>
    %select_n3A_81 = arith.select %ge3A_71, %broadcast_in_dim3A_80, %select_n3A_66 : vector<1024x2048xi1>, vector<1024x2048xf32>
    %get3A_82 = arith.constant 0 : index
    %get3A_83 = arith.constant 6 : index
    %get3A_84 = memref.load %arg1[%get3A_82, %get3A_83] : memref<3x8xf32, #tpu.memory_space<smem>>
    %ge3A_85 = vector.broadcast %get3A_84 : f32 to vector<1024x2048xf32>
    %ge3A_86 = arith.cmpf oge, %get3A_1, %ge3A_85 : vector<1024x2048xf32>
    %get3A_87 = arith.constant 1 : index
    %get3A_88 = arith.constant 6 : index
    %get3A_89 = memref.load %arg1[%get3A_87, %get3A_88] : memref<3x8xf32, #tpu.memory_space<smem>>
    %broadcast_in_dim3A_90 = vector.broadcast %get3A_89 : f32 to vector<1024x2048xf32>
    %select_n3A_91 = arith.select %ge3A_86, %broadcast_in_dim3A_90, %select_n3A_76 : vector<1024x2048xi1>, vector<1024x2048xf32>
    %get3A_92 = arith.constant 2 : index
    %get3A_93 = arith.constant 6 : index
    %get3A_94 = memref.load %arg1[%get3A_92, %get3A_93] : memref<3x8xf32, #tpu.memory_space<smem>>
    %broadcast_in_dim3A_95 = vector.broadcast %get3A_94 : f32 to vector<1024x2048xf32>
    %select_n3A_96 = arith.select %ge3A_86, %broadcast_in_dim3A_95, %select_n3A_81 : vector<1024x2048xi1>, vector<1024x2048xf32>
    %get3A_97 = arith.constant 0 : index
    %get3A_98 = arith.constant 7 : index
    %get3A_99 = memref.load %arg1[%get3A_97, %get3A_98] : memref<3x8xf32, #tpu.memory_space<smem>>
    %ge3A_100 = vector.broadcast %get3A_99 : f32 to vector<1024x2048xf32>
    %ge3A_101 = arith.cmpf oge, %get3A_1, %ge3A_100 : vector<1024x2048xf32>
    %get3A_102 = arith.constant 1 : index
    %get3A_103 = arith.constant 7 : index
    %get3A_104 = memref.load %arg1[%get3A_102, %get3A_103] : memref<3x8xf32, #tpu.memory_space<smem>>
    %broadcast_in_dim3A_105 = vector.broadcast %get3A_104 : f32 to vector<1024x2048xf32>
    %select_n3A_106 = arith.select %ge3A_101, %broadcast_in_dim3A_105, %select_n3A_91 : vector<1024x2048xi1>, vector<1024x2048xf32>
    %get3A_107 = arith.constant 2 : index
    %get3A_108 = arith.constant 7 : index
    %get3A_109 = memref.load %arg1[%get3A_107, %get3A_108] : memref<3x8xf32, #tpu.memory_space<smem>>
    %broadcast_in_dim3A_110 = vector.broadcast %get3A_109 : f32 to vector<1024x2048xf32>
    %select_n3A_111 = arith.select %ge3A_101, %broadcast_in_dim3A_110, %select_n3A_96 : vector<1024x2048xi1>, vector<1024x2048xf32>
    %mul3A = arith.mulf %select_n3A_106, %get3A_1 : vector<1024x2048xf32>
    %add3A = arith.addf %mul3A, %select_n3A_111 : vector<1024x2048xf32>
    %swap3A = arith.constant 0 : index
    %swap3A_112 = arith.constant 0 : index
    %swap3A_113 = vector.load %arg3[%swap3A, %swap3A_112] : memref<1024x2048xf32, #tpu.memory_space<vmem>>, vector<1024x2048xf32>
    tpu.vector_store %arg3[%swap3A, %swap3A_112], %add3A {strides = array<i32>} : memref<1024x2048xf32, #tpu.memory_space<vmem>>, vector<1024x2048xf32>,
    return
  }
  func.func @transform_0(%arg0: i32) -> (i32, i32) {
    %c0_i32 = arith.constant 0 : i32
    %c0_i32_0 = arith.constant 0 : i32
    %c0_i32_1 = arith.constant 0 : i32
    return %c0_i32, %c0_i32_0 : i32, i32
  }
  func.func @transform_1(%arg0: i32) -> (i32, i32) {
    %c0_i32 = arith.constant 0 : i32
    %c0_i32_0 = arith.constant 0 : i32
    return %arg0, %c0_i32 : i32, i32
  }
  func.func @transform_2(%arg0: i32) -> (i32, i32) {
    %c0_i32 = arith.constant 0 : i32
    %c0_i32_0 = arith.constant 0 : i32
    return %arg0, %c0_i32 : i32, i32
  }
}

</mosaic_0001>

<sc_bundles>
// kernel: kernel.5.cloned.1.call-start
scs
__scs_entry_jumppad:
0x0: {  	(pc) =	sbr.rel $0x88, $3  }
0x1: {  	(tag) =	ssettag $0x0;
	lr =	simm.s32 $0x1  }
0x2: {  	[smem:$0x3F9E] =	sst lr;
	_ =	strace $0xD0000000  }
0x3: {  	_ = 	snop  }
0x4: {  	_ = 	snop  }
0x5: {  	_ = 	snop  }
0x6: {  	_ = 	snop  }
0x7: {  	_ = 	snop  }
__scs_overlays_trampoline_lowered:
0x8: {  	[smem:$0x3FAD] =	sst s0  }
0x9: {  	[smem:$0x3FAE] =	sst s1  }
0xa: {  	[smem:$0x3FAF] =	sst s2  }
0xb: {  	[smem:$0x3FB0] =	sst s3  }
0xc: {  	[smem:$0x3FB1] =	sst s4  }
0xd: {  	[smem:$0x3FB2] =	sst s5  }
0xe: {  	[smem:$0x3FB3] =	sst s6  }
0xf: {  	[smem:$0x3FB4] =	sst s7  }
0x10: {  	[smem:$0x3FB5] =	sst s8  }
0x11: {  	[smem:$0x3FB6] =	sst s9;
	s0 =	simm.s32 @!p0 $0x0  }
0x12: {  	s1 =	sld [smem:$0x3F9C];
	s0 =	simm.s32 @p0 $0x1  }
0x13: {  	[smem:$0x3FB7] =	sst s0;
	s0 =	simm.s32 @!p1 $0x0  }
0x14: {  	s2 =	sld [smem:$0x3F9B];
	s0 =	simm.s32 @p1 $0x1  }
0x15: {  	[smem:$0x3FB8] =	sst s0;
	s0 =	simm.s32 @!p2 $0x0  }
0x16: {  	s3 =	sld [smem:$0x3FDB];
	s0 =	simm.s32 @p2 $0x1  }
0x17: {  	s4 =	simm.s32 $0x1BF5;
	[smem:$0x3FBA] =	sst s0  }
0x18: {  	s0 =	sld [smem:$0x3F9D];
	_ =	swait.ge [sflag:s4], $0x0  }
0x19: {  	s7 =	sld [smem:$0x3F9E]  }
0x1a: {  	s8 =	sadd.s32 $0xFFFFE003, lr  }
0x1b: {  	s9 =	sadd.s32 $0xFFFFFEF7, lr;
	s5 =	simm.s32 $0xFFFFFFFF;
	p2 =	slt.u32 s8, $0xFFFFF086  }
0x1c: {  	p1 =	slt.u32 s9, $0xF7A;
	s5 =	simm.s32 @!p2 $0x0  }
0x1d: {  	s5 =	simm.s32 @p1 $0x1;
	p0 =	seq.s32 s7, s2  }
0x1e: {  	s7 =	smul.u32 @!p0 $0xF7A, s2;
	p2 =	seq.s32 @!p0 s5, $0x0  }
0x1f: {  	s9 =	smul.u32 $0xF7A, s1;
	s8 =	simm.s32 @!p0 $0x1BF5;
	p2 =	por !p2, p0  }
0x20: {  	[sflag:s8] =	ssyncset.s32 @!p0 $0xFFFFF086;
	s6 =	sadd.s32 @!p0 s3, s7;
	s7 =	simm.s32 @!p0 $0x108  }
0x21: {  	s3 =	sadd.s32 s3, s9;
	s6 =	sadd.s32 @!p0 $0x88, s6;
	s7 =	simm.s32 @p2 $0x1082  }
0x22: {  	[simem:s7], [sflag:s8] =	dma.local @!p0 [hbm:s6], $0xF7A  }
0x23: {  	s9 =	sor.u32 $0xD0000000, s2;
	s6 =	simm.s32 $0x108;
	_ =	swait.ge @!p0 [sflag:s8], $0x0  }
0x24: {  	s3 =	sadd.s32 $0x88, s3;
	s6 =	simm.s32 @!p1 $0x1082;
	[sflag:s4] =	ssyncset.s32 $0xFFFFF086  }
0x25: {  	[simem:s6], [sflag:s4] =	dma.local [hbm:s3], $0xF7A  }
0x26: {  	[smem:$0x3F9E] =	sst s1;
	(tag) =	ssettag s2;
	_ =	strace s9  }
0x27: {  	s1 =	sld [smem:$0x3FAE]  }
0x28: {  	s2 =	sld [smem:$0x3FAF]  }
0x29: {  	s4 =	sld [smem:$0x3FB1]  }
0x2a: {  	p0 =	seq.s32 s5, $0x0;
	s5 =	sld [smem:$0x3FB2]  }
0x2b: {  	s6 =	sld [smem:$0x3FB3]  }
0x2c: {  	s7 =	sld [smem:$0x3FB4]  }
0x2d: {  	s3 =	simm.s32 $0x108;
	s8 =	sld [smem:$0x3FB5]  }
0x2e: {  	s3 =	simm.s32 @!p0 $0x1082;
	s9 =	sld [smem:$0x3FB6]  }
0x2f: {  	lr =	sadd.s32 s0, s3;
	s0 =	sld [smem:$0x3FAD]  }
0x30: {  	s3 =	sld [smem:$0x3FB0]  }
0x31: {  	[smem:$0x3FB9] =	sst s10  }
0x32: {  	s10 =	sld [smem:$0x3FB7];
	_ =	sdelay $0x3  }
0x33: {  	p0 =	seq.s32 s10, $0x1;
	s10 =	sld [smem:$0x3FB9];
	_ =	sdelay $0x3  }
0x34: {  	[smem:$0x3FB9] =	sst s10  }
0x35: {  	s10 =	sld [smem:$0x3FB8];
	_ =	sdelay $0x3  }
0x36: {  	p1 =	seq.s32 s10, $0x1;
	s10 =	sld [smem:$0x3FB9];
	_ =	sdelay $0x3  }
0x37: {  	[smem:$0x3FB9] =	sst s10  }
0x38: {  	s10 =	sld [smem:$0x3FBA]  }
0x39: {  	_ = 	snop;
	(pc) =	sbr.ind lr, $3  }
0x3a: {  	_ = 	snop  }
0x3b: {  	_ = 	snop  }
0x3c: {  	p2 =	seq.s32 s10, $0x1;
	s10 =	sld [smem:$0x3FB9]  }
0x3d: {  	_ =	shalt  }
0x3e: {  	_ =	shalt  }
0x3f: {  	_ =	shalt  }
0x40: {  	_ =	shalt  }
0x41: {  	_ =	shalt  }
0x42: {  	_ =	shalt  }
0x43: {  	_ =	shalt  }
0x44: {  	_ =	shalt  }
0x45: {  	_ =	shalt  }
0x46: {  	_ =	shalt  }
0x47: {  	_ =	shalt  }
0x48: {  	_ =	shalt  }
0x49: {  	_ =	shalt  }
0x4a: {  	_ =	shalt  }
0x4b: {  	_ =	shalt  }
0x4c: {  	_ =	shalt  }
0x4d: {  	_ =	shalt  }
0x4e: {  	_ =	shalt  }
0x4f: {  	_ =	shalt  }
0x50: {  	_ =	shalt  }
0x51: {  	_ =	shalt  }
0x52: {  	_ =	shalt  }
0x53: {  	_ =	shalt  }
0x54: {  	_ =	shalt  }
0x55: {  	_ =	shalt  }
0x56: {  	_ =	shalt  }
0x57: {  	_ =	shalt  }
0x58: {  	_ =	shalt  }
0x59: {  	_ =	shalt  }
0x5a: {  	_ =	shalt  }
0x5b: {  	_ =	shalt  }
0x5c: {  	_ =	shalt  }
0x5d: {  	_ =	shalt  }
0x5e: {  	_ =	shalt  }
0x5f: {  	_ =	shalt  }
0x60: {  	_ =	shalt  }
0x61: {  	_ =	shalt  }
0x62: {  	_ =	shalt  }
0x63: {  	_ =	shalt  }
0x64: {  	_ =	shalt  }
0x65: {  	_ =	shalt  }
0x66: {  	_ =	shalt  }
0x67: {  	_ =	shalt  }
0x68: {  	_ =	shalt  }
0x69: {  	_ =	shalt  }
0x6a: {  	_ =	shalt  }
0x6b: {  	_ =	shalt  }
0x6c: {  	_ =	shalt  }
0x6d: {  	_ =	shalt  }
0x6e: {  	_ =	shalt  }
0x6f: {  	_ =	shalt  }
0x70: {  	_ =	shalt  }
0x71: {  	_ =	shalt  }
0x72: {  	_ =	shalt  }
0x73: {  	_ =	shalt  }
0x74: {  	_ =	shalt  }
0x75: {  	_ =	shalt  }
0x76: {  	_ =	shalt  }
0x77: {  	_ =	shalt  }
0x78: {  	_ =	shalt  }
0x79: {  	_ =	shalt  }
0x7a: {  	_ =	shalt  }
0x7b: {  	_ =	shalt  }
0x7c: {  	_ =	shalt  }
0x7d: {  	_ =	shalt  }
0x7e: {  	_ =	shalt  }
0x7f: {  	_ =	shalt  }
0x80: {  	_ =	shalt  }
0x81: {  	_ =	shalt  }
0x82: {  	_ =	shalt  }
0x83: {  	_ =	shalt  }
0x84: {  	_ =	shalt  }
0x85: {  	_ =	shalt  }
0x86: {  	_ =	shalt  }
0x87: {  	_ =	shalt  }
.Lfunc_end0:
.L_simem_size_0:
called_computation_lowered:
.L_overlay_start_0:
0x88: {  	s2 =	sld [smem:$0x3FD9]  }
0x89: {  	s3 =	sld [smem:$0x3FFE];
	_ =	sdelay $0x1  }
0x8a: {  	s1 =	srdreg.scid  }
0x8b: {  	s0 =	sand.u32 $0x1, s1  }
0x8c: {  	s17 =	sshll.u32 s0, $0xA;
	s2 =	sadd.s32 s3, s2  }
0x8d: {  	s2 =	sadd.s32 s2, s17  }
0x8e: {  	[smem:$0x3FC5] =	sst s2  }
0x8f: {  	_ = 	snop  }
0x90: {  	s2 =	sld [smem:$0x3FC9]  }
0x91: {  	s18 =	sld [smem:$0x3FD0];
	(tm) =	ssettm $0x1  }
0x92: {  	s4 =	sld [smem:$0x3FFB];
	_ =	sdelay $0x3  }
0x93: {  	_ =	strace s4  }
0x94: {  	s4 =	sld [smem:$0x3FFC];
	_ =	sdelay $0x3  }
0x95: {  	_ =	strace s4  }
0x96: {  	s4 =	sld [smem:$0x3FFD];
	_ =	sdelay $0x3  }
0x97: {  	_ =	strace s4  }
0x98: {  	_ =	strace $0x8FFFFFFF  }
0x99: {  	s19 =	sld [smem:$0x3FDB];
	_ =	sdelay $0x1  }
0x9a: {  	s5 =	simm.s32 $_scs_section_size  }
0x9b: {  	s6 =	simm.s32 $_size__tile_overlayer_lowered;
	s7 =	simm.s32 $_tile_overlayer_lowered  }
0x9c: {  	s22 =	simm.s32 $0x1BFF;
	s21 =	sshll.u32 s7, $0x1;
	s4 =	sadd.s32 s5, s19  }
0x9d: {  	s8 =	simm.s32 $0x0;
	s20 =	sshll.u32 s6, $0x1;
	s6 =	sadd.s32 s21, s4  }
0x9e: {  	[timem:s8], [sflag:s22] =	dma.local [hbm:s6], s20  }
0x9f: {  	_ =	swait.ge [sflag:s22], s20  }
0xa0: {  	s5 =	ssub.s32 $0x0, s20;
	[sflag:s22] =	ssyncset.done $0x0  }
0xa1: {  	[sflag:s22] =	ssyncadd.s32 s5;
	_ =	sdelay $0x1  }
0xa2: {  	s23 =	simm.s32 $0x1B8B  }
0xa3: {  	_ =	swait.ge [sflag:s23], $0x1  }
0xa4: {  	[sflag:s23] =	ssyncset.done $0x0  }
0xa5: {  	s25 =	simm.s32 $0x1B8E;
	s24 =	sld [smem:$0x3FFE];
	[sflag:s23] =	ssyncadd.s32 $0xFFFFFFFF  }
0xa6: {  	s26 =	simm.s32 $execute0_lowered;
	[smem:$0x3FD2] =	sst s25  }
0xa7: {  	s6 =	sshll.u32 s26, $0x1;
	_ =	strace $0x80000046;
	[dreg:$0x1] =	wrdreg $0xFFFFFFFF  }
0xa8: {  	s28 =	simm.s32 $_size_execute0_lowered;
	s4 =	sadd.s32 s4, s6;
	[dreg:$0x0] =	wrdreg $0x0  }
0xa9: {  	s6 =	sshll.u32 s28, $0x1;
	[dreg:$0x2] =	wrdreg s4  }
0xaa: {  	[dreg:$0x3] =	wrdreg s6  }
0xab: {  	[dreg:$0x4] =	wrdreg $0xC0  }
0xac: {  	_ =	task [dreg:s8], $0x5FFFF  }
0xad: {  	[dreg:$0x1] =	wrdreg $0xFFFFFFFF  }
0xae: {  	[dreg:$0x0] =	wrdreg $0x60  }
0xaf: {  	[dreg:$0x2] =	wrdreg s2  }
0xb0: {  	[dreg:$0x3] =	wrdreg s18  }
0xb1: {  	[dreg:$0x4] =	wrdreg s24  }
0xb2: {  	[dreg:$0x5] =	wrdreg $0x9  }
0xb3: {  	_ =	task.clear_ibuf [dreg:s8], $0x6FFFF;
	_ =	strace $0x90000046  }
0xb4: {  	s29 =	simm.s32 $0x9;
	_ =	strace $0x80000048  }
0xb5: {  	_ =	swait.ge [sflag:s29], $0x1  }
0xb6: {  	[sflag:s29] =	ssyncadd.s32 $0xFFFFFFFF  }
0xb7: {  	_ =	strace $0x90000048  }
0xb8: {  	_ =	sfence  }
0xb9: {  	s30 =	sld [smem:$0x0];
	_ =	sdelay $0x2  }
0xba: {  	s31 =	sshll.u32 s1, $0xD;
	s1 =	sshrl.u32 s1, $0x2  }
0xbb: {  	s3 =	sand.u32 $0x4000, s31;
	s1 =	sadd.s32 s1, s30  }
0xbc: {  	s0 =	sor.u32 s3, s0;
	s1 =	sshll.u32 s1, $0x11  }
0xbd: {  	s0 =	sor.u32 s1, s0  }
0xbe: {  	s0 =	sadd.s32 $0x8F2B, s0  }
0xbf: {  	[sflag:s0] =	ssyncadd.remote.s32 $0x1  }
0xc0: {  	_ =	sfence.sel $0xFFFF  }
0xc1: {  	[dreg:$0x0] =	wrdreg $0xFFFFFFFF;
	(pc) =	sbr.abs _section_cstart, $3  }
0xc2: {  	[dreg:$0x1] =	wrdreg $0xFFFFFFFF  }
0xc3: {  	_ =	task.clear_ibuf [dreg:s8], $0x2FFFF;
	_ =	strace $0x9FFFFFFF  }
0xc4: {  	(tm) =	ssettm $0x7FFFFFFF  }
0xc5: {  	_ =	shalt  }
tec
execute0_lowered:
.L_overlay_start_1:
0x0: {  	(tag) =	ssettag $0x1  }
0x1: {  	s3 =	rddreg [dreg:$0x0]  }
0x2: {  	s7 =	rddreg [dreg:$0x1];
	s1 =	srdreg.scid  }
0x3: {  	s0 =	stileid.u32;
	s8 =	rddreg [dreg:$0x2]  }
0x4: {  	s2 =	simm.s32 $0x0;
	s11 =	simm.s32 $0x1;
	s12 =	simm.s32 $0x2  }
0x5: {  	s13 =	simm.s32 $0x8000;
	s14 =	simm.s32 $0x3;
	s15 =	simm.s32 $0x8080  }
0x6: {  	s4 =	sand.u32 $0x1, s1;
	s5 =	sshll.u32 s0, $0x1;
	s1 =	rddreg [dreg:$0x3]  }
0x7: {  	s16 =	simm.s32 $0x0;
	[smem:$0x7FF] =	sst s2;
	s5 =	sor.u32 s4, s5  }
.Ltmp0:
0x8: {  	s4 =	ssub.s32 $0x2, s4;
	_ =	strace $0x80000047;
	(pc) =	sbr.rel .LBB2_1-.Ltmp0, $4  }
0x9: {  	s6 =	sshll.u32 s5, $0x10;
	s9 =	sshrl.u32 s4, $0x1;
	s10 =	sshll.u32 s5, $0x4  }
0xa: {  	s3 =	sadd.s32 s3, s6;
	s9 =	ssub.s32 s4, s9;
	s7 =	sadd.s32 s7, s10  }
0xb: {  	s8 =	sadd.s32 s8, s10;
	s10 =	simm.s32 $0x4000;
	s4 =	sadd.s32 $0x800, s3  }
0xc: {  	s5 =	sadd.s32 $0x1000, s3;
	s6 =	sadd.s32 $0x1800, s3;
	s9 =	smax.u32 s9, $0x1  }
.LBB2_8:
0xd: {  	v4 =	vadd.f32 v8, v4  }
0xe: {  	v5 =	vadd.f32 v14, v13  }
0xf: {  	v4 =	vadd.f32 v10, v4  }
0x10: {  	v5 =	vadd.f32 v15, v5  }
0x11: {  	v4 =	vadd.f32 v11, v4  }
0x12: {  	v5 =	vadd.f32 v18, v5  }
0x13: {  	v4 =	vadd.f32 v6, v4  }
0x14: {  	v5 =	vadd.f32 v12, v5  }
0x15: {  	v4 =	vadd.f32 v16, v4  }
0x16: {  	v1 =	vadd.f32 v1, v5  }
0x17: {  	v4 =	vadd.f32 v7, v4  }
0x18: {  	v0 =	vadd.f32 v0, v1  }
0x19: {  	v63 =	vadd.f32 v3, v4  }
0x1a: {  	v0 =	vadd.f32 v2, v0  }
0x1b: {  	[tilespmem:$0x8000] =	vst v63  }
0x1c: {  	[tilespmem:$0x8080] =	vst v0  }
0x1d: {  	[hbm4b:s7+s2] =	stream.linear.scatter [tilespmem:s13], [sflag:$0x3], $0x80, $0x38;
	[tilespmem:$0x8100] =	vst v63  }
0x1e: {  	s16 =	sadd.s32 $0x1, s16;
	_ =	swait.ge [sflag:s14], $0x80  }
0x1f: {  	p0 =	sne.s32 s16, s9;
	[sflag:s14] =	ssyncset.done $0x0  }
.Ltmp1:
0x20: {  	[sflag:s14] =	ssyncadd.s32 $0xFFFFFF80;
	(pc) =	sbr.rel @!p0 .LBB2_9-.Ltmp1, $4  }
0x21: {  	[hbm4b:s8+s2] =	stream.linear.scatter [tilespmem:s15], [sflag:$0x3], $0x80, $0x38;
	[tilespmem:$0x8100] =	vst v63  }
0x22: {  	_ =	swait.ge [sflag:s14], $0x80  }
0x23: {  	[sflag:s14] =	ssyncset.done $0x0  }
0x24: {  	[sflag:s14] =	ssyncadd.s32 $0xFFFFFF80  }
.LBB2_1:
0x25: {  	v2 =	vimm.f32 $0.0e+00  }
0x26: {  	v3 =	vimm.f32 $0.0e+00;
	v0 =	vimm.f32 $0.0e+00;
	v7 =	vimm.f32 $0.0e+00  }
0x27: {  	v1 =	vimm.f32 $0.0e+00;
	v16 =	vimm.f32 $0.0e+00;
	v12 =	vimm.f32 $0.0e+00  }
0x28: {  	[tilespmem:s2], [sflag:$0x1] =	stream.linear.gather [hbm4b:s3+s2], $0x4000, $0x38;
	v6 =	vimm.f32 $0.0e+00;
	v18 =	vimm.f32 $0.0e+00;
	v11 =	vimm.f32 $0.0e+00;
	[tilespmem:$0x8100] =	vst v63  }
0x29: {  	v15 =	vimm.f32 $0.0e+00;
	v10 =	vimm.f32 $0.0e+00;
	v14 =	vimm.f32 $0.0e+00;
	s17 =	simm.s32 $0x0  }
0x2a: {  	v8 =	vimm.f32 $0.0e+00;
	v13 =	vimm.f32 $0.0e+00;
	v4 =	vimm.f32 $0.0e+00;
	[tilespmem:s10], [sflag:$0x2] =	stream.linear.gather [hbm4b:s4+s2], $0x4000, $0x38;
	[tilespmem:$0x8100] =	vst v63  }
.LBB2_2:
0x2b: {  	s18 =	simm.s32 $0x0  }
0x2c: {  	_ =	swait.ge [sflag:s11], $0x4000;
	s19 =	sand.u32 $0x7, s18  }
0x2d: {  	[sflag:s11] =	ssyncset.done $0x0;
	s20 =	sand.u32 $0x70, s18;
	s18 =	sand.u32 $0x3C00, s18  }
0x2e: {  	[sflag:s11] =	ssyncadd.s32 $0xFFFFC000;
	s20 =	sor.u32 s20, s18  }
0x2f: {  	s19 =	sshll.u32 s19, $0x4;
	v9 =	vld [tilespmem:s20+$0x0]  }
0x30: {  	s19 =	sadd.s32 $0x0, s19;
	v17 =	vld [tilespmem:s20+$0x80]  }
0x31: {  	v19 =	vld [tilespmem:s20+$0x100];
	s19 =	sor.u32 $0x380, s19  }
0x32: {  	v5 =	vld [tilespmem:s19+$0x0]  }
0x33: {  	v22 =	vld [tilespmem:s20+$0x180]  }
0x34: {  	s30 =	simm.s32 $0x1;
	v23 =	vld [tilespmem:s20+$0x200]  }
0x35: {  	s18 =	sand.u32 $0x7, s30  }
0x36: {  	s31 =	sshll.u32 s18, $0x4;
	v25 =	vld [tilespmem:s20+$0x300];
	v4 =	vadd.f32 v9, v4  }
0x37: {  	s21 =	simm.s32 $0x10;
	s18 =	simm.s32 $0x80;
	v24 =	vld [tilespmem:s20+$0x280];
	s19 =	sadd.s32 $0x80, s31;
	v8 =	vadd.f32 v17, v8;
	v10 =	vadd.f32 v19, v10;
	v20 =	vmul.f32 v5, v5  }
0x38: {  	s21 =	sand.u32 $0x70, s21;
	s22 =	sand.u32 $0x3C00, s18;
	s23 =	sor.u32 $0x380, s19;
	v11 =	vadd.f32 v22, v11;
	v5 =	vadd.f32 v5, v3;
	v3 =	vmul.f32 v9, v9  }
0x39: {  	s19 =	sor.u32 s21, s22;
	v21 =	vld [tilespmem:s23+$0x0];
	v17 =	vmul.f32 v17, v17;
	v6 =	vadd.f32 v23, v6;
	v9 =	vadd.f32 v20, v2  }
0x3a: {  	v13 =	vadd.f32 v3, v13;
	v2 =	vmul.f32 v19, v19;
	v20 =	vld [tilespmem:s19+$0x0];
	v3 =	vmul.f32 v22, v22  }
0x3b: {  	v7 =	vadd.f32 v25, v7;
	v14 =	vadd.f32 v17, v14;
	v19 =	vld [tilespmem:s19+$0x80];
	v22 =	vmul.f32 v23, v23  }
0x3c: {  	s20 =	simm.s32 $0x2;
	v17 =	vld [tilespmem:s19+$0x100];
	v15 =	vadd.f32 v2, v15;
	v2 =	vadd.f32 v3, v18;
	v18 =	vmul.f32 v24, v24  }
0x3d: {  	s22 =	simm.s32 $0x20;
	s21 =	simm.s32 $0x30;
	s23 =	sand.u32 $0x7, s20;
	v3 =	vadd.f32 v24, v16;
	v16 =	vld [tilespmem:s19+$0x180];
	v12 =	vadd.f32 v22, v12;
	v22 =	vmul.f32 v25, v25  }
.LBB2_3:
0x3e: {  	p0 =	sne.s32 s21, $0x7F0;
	s23 =	sshll.u32 s23, $0x4;
	v23 =	vld [tilespmem:s19+$0x200];
	v5 =	vadd.f32 v21, v5;
	v21 =	vmul.f32 v21, v21;
	s18 =	sadd.s32 $0x80, s18;
	v1 =	vadd.f32 v18, v1  }
0x3f: {  	s22 =	sand.u32 $0x70, s22;
	s23 =	sadd.s32 s23, s18;
	s24 =	sand.u32 $0x3C00, s18;
	v4 =	vadd.f32 v20, v4;
	v18 =	vmul.f32 v20, v20;
	v24 =	vld [tilespmem:s19+$0x280];
	v0 =	vadd.f32 v22, v0  }
0x40: {  	s23 =	sor.u32 $0x380, s23;
	v8 =	vadd.f32 v19, v8;
	v19 =	vmul.f32 v19, v19;
	v22 =	vld [tilespmem:s19+$0x300];
	s19 =	sor.u32 s22, s24;
	v9 =	vadd.f32 v21, v9;
	s22 =	smov.u32 s21  }
.Ltmp2:
0x41: {  	v21 =	vld [tilespmem:s23+$0x0];
	v13 =	vadd.f32 v18, v13;
	v10 =	vadd.f32 v17, v10;
	v17 =	vmul.f32 v17, v17;
	(pc) =	sbr.rel @p0 .LBB2_3-.Ltmp2, $4  }
0x42: {  	v20 =	vld [tilespmem:s19+$0x0];
	v14 =	vadd.f32 v19, v14;
	v11 =	vadd.f32 v16, v11;
	v16 =	vmul.f32 v16, v16  }
0x43: {  	v19 =	vld [tilespmem:s19+$0x80];
	v15 =	vadd.f32 v17, v15;
	v6 =	vadd.f32 v23, v6;
	v23 =	vmul.f32 v23, v23  }
0x44: {  	s20 =	sadd.s32 $0x1, s20;
	v17 =	vld [tilespmem:s19+$0x100];
	v2 =	vadd.f32 v16, v2;
	v3 =	vadd.f32 v24, v3;
	v18 =	vmul.f32 v24, v24  }
0x45: {  	s21 =	sadd.s32 $0x10, s21;
	s23 =	sand.u32 $0x7, s20;
	v16 =	vld [tilespmem:s19+$0x180];
	v12 =	vadd.f32 v23, v12;
	v7 =	vadd.f32 v22, v7;
	v22 =	vmul.f32 v22, v22  }
0x46: {  	s20 =	sshll.u32 s23, $0x4;
	v23 =	vld [tilespmem:s19+$0x200];
	s18 =	sadd.s32 $0x80, s18  }
0x47: {  	v24 =	vld [tilespmem:s19+$0x280];
	s20 =	sadd.s32 s20, s18  }
0x48: {  	s21 =	sand.u32 $0x70, s22;
	v25 =	vld [tilespmem:s19+$0x300];
	s18 =	sand.u32 $0x3C00, s18;
	s20 =	sor.u32 $0x380, s20  }
0x49: {  	v5 =	vadd.f32 v21, v5;
	v21 =	vmul.f32 v21, v21;
	v1 =	vadd.f32 v18, v1;
	s23 =	sor.u32 s21, s18;
	v26 =	vld [tilespmem:s20+$0x0]  }
0x4a: {  	v4 =	vadd.f32 v20, v4;
	v18 =	vmul.f32 v20, v20;
	v0 =	vadd.f32 v22, v0;
	v27 =	vld [tilespmem:s23+$0x0]  }
0x4b: {  	v8 =	vadd.f32 v19, v8;
	v19 =	vmul.f32 v19, v19;
	v9 =	vadd.f32 v21, v9;
	v20 =	vld [tilespmem:s23+$0x80]  }
0x4c: {  	v22 =	vld [tilespmem:s23+$0x100];
	v13 =	vadd.f32 v18, v13;
	v18 =	vmul.f32 v17, v17;
	v10 =	vadd.f32 v17, v10  }
0x4d: {  	v21 =	vld [tilespmem:s23+$0x180];
	v14 =	vadd.f32 v19, v14;
	v11 =	vadd.f32 v16, v11  }
0x4e: {  	p0 =	seq.s32 s17, $0xF;
	s18 =	sshll.u32 s17, $0xC;
	v17 =	vld [tilespmem:s23+$0x200];
	v16 =	vmul.f32 v16, v16;
	v15 =	vadd.f32 v18, v15;
	v6 =	vadd.f32 v23, v6  }
0x4f: {  	s24 =	simm.s32 $0x0;
	v28 =	vld [tilespmem:s23+$0x300];
	s19 =	sadd.s32 @!p0 s18, s5;
	s20 =	simm.s32 @!p0 $0x0;
	v19 =	vmul.f32 v23, v23;
	v23 =	vmul.f32 v24, v24;
	v3 =	vadd.f32 v24, v3  }
0x50: {  	v18 =	vld [tilespmem:s23+$0x280];
	[tilespmem:s20], [sflag:$0x1] =	stream.linear.gather @!p0 [hbm4b:s19+s20], $0x4000, $0x38;
	v7 =	vadd.f32 v25, v7;
	v2 =	vadd.f32 v16, v2  }
0x51: {  	s25 =	sand.u32 $0x7, s24;
	v16 =	vmul.f32 v25, v25;
	_ =	swait.ge [sflag:s12], $0x4000;
	v12 =	vadd.f32 v19, v12;
	v1 =	vadd.f32 v23, v1  }
0x52: {  	s26 =	sand.u32 $0x70, s24;
	s19 =	sand.u32 $0x3C00, s24;
	[sflag:s12] =	ssyncset.done $0x0;
	v5 =	vadd.f32 v26, v5;
	v19 =	vmul.f32 v26, v26;
	v4 =	vadd.f32 v27, v4  }
0x53: {  	s20 =	sshll.u32 s25, $0x4;
	s21 =	sor.u32 s26, s19;
	v23 =	vmul.f32 v27, v27;
	v0 =	vadd.f32 v16, v0;
	v8 =	vadd.f32 v20, v8;
	[sflag:s12] =	ssyncadd.s32 $0xFFFFC000  }
0x54: {  	s20 =	sadd.s32 $0x0, s20;
	v16 =	vmul.f32 v20, v20;
	v11 =	vadd.f32 v21, v11;
	v61 =	vadd.f32 v28, v7;
	v20 =	vld [tilespmem:s21+$0x4000]  }
0x55: {  	s20 =	sor.u32 $0x380, s20;
	v62 =	vld [tilespmem:s21+$0x4200];
	v9 =	vadd.f32 v19, v9;
	v19 =	vadd.f32 v23, v13;
	v13 =	vmul.f32 v22, v22  }
0x56: {  	v22 =	vadd.f32 v22, v10;
	v14 =	vadd.f32 v16, v14;
	v10 =	vmul.f32 v21, v21;
	v16 =	vld [tilespmem:s20+$0x4000]  }
0x57: {  	v21 =	vadd.f32 v17, v6;
	v6 =	vmul.f32 v17, v17;
	v17 =	vld [tilespmem:s21+$0x4080];
	v24 =	vadd.f32 v18, v3  }
0x58: {  	s28 =	simm.s32 $0x1;
	v3 =	vmul.f32 v28, v28;
	v23 =	vadd.f32 v10, v2;
	v2 =	vmul.f32 v18, v18;
	v18 =	vld [tilespmem:s21+$0x4100]  }
0x59: {  	s19 =	sand.u32 $0x7, s28;
	v15 =	vadd.f32 v13, v15;
	v60 =	vadd.f32 v6, v12;
	v12 =	vld [tilespmem:s21+$0x4180]  }
0x5a: {  	s29 =	sshll.u32 s19, $0x4;
	v63 =	vld [tilespmem:s21+$0x4280];
	v0 =	vadd.f32 v3, v0;
	v10 =	vadd.f32 v20, v4;
	v4 =	vmul.f32 v20, v20  }
0x5b: {  	s30 =	simm.s32 $0x10;
	s19 =	simm.s32 $0x80;
	s20 =	sadd.s32 $0x80, s29;
	v1 =	vadd.f32 v2, v1;
	v3 =	vmul.f32 v16, v16;
	v13 =	vadd.f32 v16, v5  }
0x5c: {  	s22 =	sand.u32 $0x70, s30;
	s31 =	sand.u32 $0x3C00, s19;
	v29 =	vld [tilespmem:s21+$0x4300];
	s24 =	sor.u32 $0x380, s20;
	v2 =	vadd.f32 v17, v8;
	v6 =	vmul.f32 v17, v17;
	v4 =	vadd.f32 v4, v19  }
0x5d: {  	s20 =	sor.u32 s22, s31;
	v20 =	vld [tilespmem:s24+$0x4000];
	v3 =	vadd.f32 v3, v9;
	v5 =	vadd.f32 v18, v22;
	v8 =	vmul.f32 v18, v18  }
0x5e: {  	v19 =	vld [tilespmem:s20+$0x4000];
	v6 =	vadd.f32 v6, v14;
	v7 =	vadd.f32 v12, v11;
	v11 =	vmul.f32 v12, v12  }
0x5f: {  	v17 =	vld [tilespmem:s20+$0x4080];
	v9 =	vadd.f32 v62, v21;
	v14 =	vmul.f32 v62, v62;
	v12 =	vadd.f32 v63, v24  }
0x60: {  	s21 =	simm.s32 $0x2;
	v16 =	vld [tilespmem:s20+$0x4100];
	v21 =	vmul.f32 v63, v63;
	v8 =	vadd.f32 v8, v15;
	v11 =	vadd.f32 v11, v23  }
0x61: {  	s23 =	simm.s32 $0x30;
	s22 =	simm.s32 $0x20;
	s24 =	sand.u32 $0x7, s21;
	v18 =	vld [tilespmem:s20+$0x4180];
	v22 =	vmul.f32 v29, v29;
	v14 =	vadd.f32 v14, v60;
	v15 =	vadd.f32 v29, v61  }
.LBB2_5:
0x62: {  	p1 =	sne.s32 s23, $0x7F0;
	s24 =	sshll.u32 s24, $0x4;
	v23 =	vld [tilespmem:s20+$0x4200];
	v13 =	vadd.f32 v20, v13;
	v20 =	vmul.f32 v20, v20;
	s19 =	sadd.s32 $0x80, s19;
	v1 =	vadd.f32 v21, v1  }
0x63: {  	s22 =	sand.u32 $0x70, s22;
	s24 =	sadd.s32 s24, s19;
	s25 =	sand.u32 $0x3C00, s19;
	v10 =	vadd.f32 v19, v10;
	v19 =	vmul.f32 v19, v19;
	v21 =	vld [tilespmem:s20+$0x4280];
	v0 =	vadd.f32 v22, v0  }
0x64: {  	s24 =	sor.u32 $0x380, s24;
	v2 =	vadd.f32 v17, v2;
	v17 =	vmul.f32 v17, v17;
	v22 =	vld [tilespmem:s20+$0x4300];
	s20 =	sor.u32 s22, s25;
	v3 =	vadd.f32 v20, v3;
	s22 =	smov.u32 s23  }
.Ltmp3:
0x65: {  	v20 =	vld [tilespmem:s24+$0x4000];
	v4 =	vadd.f32 v19, v4;
	v5 =	vadd.f32 v16, v5;
	v16 =	vmul.f32 v16, v16;
	(pc) =	sbr.rel @p1 .LBB2_5-.Ltmp3, $4  }
0x66: {  	v19 =	vld [tilespmem:s20+$0x4000];
	v6 =	vadd.f32 v17, v6;
	v7 =	vadd.f32 v18, v7;
	v18 =	vmul.f32 v18, v18  }
0x67: {  	v17 =	vld [tilespmem:s20+$0x4080];
	v8 =	vadd.f32 v16, v8;
	v9 =	vadd.f32 v23, v9;
	v23 =	vmul.f32 v23, v23  }
0x68: {  	s21 =	sadd.s32 $0x1, s21;
	v16 =	vld [tilespmem:s20+$0x4100];
	v11 =	vadd.f32 v18, v11;
	v12 =	vadd.f32 v21, v12;
	v21 =	vmul.f32 v21, v21  }
0x69: {  	s23 =	sadd.s32 $0x10, s23;
	s24 =	sand.u32 $0x7, s21;
	v18 =	vld [tilespmem:s20+$0x4180];
	v14 =	vadd.f32 v23, v14;
	v15 =	vadd.f32 v22, v15;
	v22 =	vmul.f32 v22, v22  }
0x6a: {  	s21 =	sshll.u32 s24, $0x4;
	v23 =	vld [tilespmem:s20+$0x4200];
	s19 =	sadd.s32 $0x80, s19  }
0x6b: {  	v13 =	vadd.f32 v20, v13;
	v20 =	vmul.f32 v20, v20;
	v1 =	vadd.f32 v21, v1;
	v58 =	vld [tilespmem:s20+$0x4280];
	s21 =	sadd.s32 s21, s19  }
0x6c: {  	s22 =	sand.u32 $0x70, s22;
	v59 =	vld [tilespmem:s20+$0x4300];
	v10 =	vadd.f32 v19, v10;
	v19 =	vmul.f32 v19, v19;
	v0 =	vadd.f32 v22, v0;
	s19 =	sand.u32 $0x3C00, s19;
	s21 =	sor.u32 $0x380, s21  }
0x6d: {  	v2 =	vadd.f32 v17, v2;
	v17 =	vmul.f32 v17, v17;
	v20 =	vadd.f32 v20, v3;
	s19 =	sor.u32 s22, s19;
	v24 =	vld [tilespmem:s21+$0x4000]  }
0x6e: {  	v19 =	vadd.f32 v19, v4;
	v5 =	vadd.f32 v16, v5;
	v3 =	vmul.f32 v16, v16;
	v16 =	vld [tilespmem:s19+$0x4000]  }
0x6f: {  	v60 =	vld [tilespmem:s19+$0x4100];
	v6 =	vadd.f32 v17, v6;
	v7 =	vadd.f32 v18, v7;
	v4 =	vmul.f32 v18, v18  }
0x70: {  	v17 =	vld [tilespmem:s19+$0x4080];
	v18 =	vadd.f32 v3, v8;
	v9 =	vadd.f32 v23, v9;
	v3 =	vmul.f32 v23, v23  }
0x71: {  	v63 =	vld [tilespmem:s19+$0x4280];
	v12 =	vadd.f32 v58, v12;
	v26 =	vadd.f32 v59, v15;
	v8 =	vmul.f32 v59, v59  }
0x72: {  	v25 =	vadd.f32 v4, v11;
	v4 =	vmul.f32 v58, v58;
	v11 =	vld [tilespmem:s19+$0x4180];
	v61 =	vadd.f32 v3, v14  }
0x73: {  	v0 =	vadd.f32 v8, v0;
	v3 =	vadd.f32 v24, v13  }
0x74: {  	v62 =	vld [tilespmem:s19+$0x4200];
	v13 =	vmul.f32 v24, v24;
	v1 =	vadd.f32 v4, v1;
	v4 =	vadd.f32 v16, v10  }
0x75: {  	v10 =	vmul.f32 v16, v16;
	v8 =	vadd.f32 v17, v2;
	v14 =	vmul.f32 v17, v17;
	v17 =	vld [tilespmem:s19+$0x4300]  }
0x76: {  	v15 =	vmul.f32 v60, v60;
	v16 =	vadd.f32 v63, v12;
	v2 =	vadd.f32 v13, v20  }
0x77: {  	v13 =	vadd.f32 v10, v19;
	v10 =	vadd.f32 v60, v5;
	v5 =	vmul.f32 v11, v11  }
.Ltmp4:
0x78: {  	v15 =	vadd.f32 v15, v18;
	v11 =	vadd.f32 v11, v7;
	(pc) =	sbr.rel @p0 .LBB2_8-.Ltmp4, $4  }
0x79: {  	v7 =	vmul.f32 v62, v62;
	v18 =	vadd.f32 v5, v25;
	v5 =	vmul.f32 v63, v63  }
0x7a: {  	v14 =	vadd.f32 v14, v6;
	v6 =	vadd.f32 v62, v9;
	v9 =	vmul.f32 v17, v17  }
0x7b: {  	v12 =	vadd.f32 v7, v61;
	v1 =	vadd.f32 v5, v1  }
0x7c: {  	v7 =	vadd.f32 v17, v26;
	v0 =	vadd.f32 v9, v0  }
.Ltmp5:
0x7d: {  	(pc) =	sbr.rel .LBB2_2-.Ltmp5, $3  }
0x7e: {  	_ =	sdelay $0x1  }
0x7f: {  	s18 =	sadd.s32 s18, s6;
	s17 =	sadd.s32 $0x1, s17  }
0x80: {  	[tilespmem:s10], [sflag:$0x2] =	stream.linear.gather [hbm4b:s18+s2], $0x4000, $0x38;
	[tilespmem:$0x8100] =	vst v63  }
.LBB2_9:
0x81: {  	_ =	sfence.sel $0x180000  }
0x82: {  	[bflag:$0x0] =	sbarrier.arrive $0xFFFF  }
0x83: {  	p0 =	sne.s32 s0, $0x0;
	_ =	strace $0x90000047  }
0x84: {  	s0 =	sadd.s32 @!p0 $0x100000, s1;
	[bflag:$0x2] =	sbarrier.arrive $0xFFFF  }
0x85: {  	[sflag:s0] =	ssyncadd.tile.s32 @!p0 $0x1;
	_ =	shalt  }
.Lfunc_end2:
_tile_overlayer_lowered:
.L_overlay_start_2:
0x86: {  	(tag) =	ssettag $0x2  }
0x87: {  	s0 =	rddreg [dreg:$0x0];
	s2 =	stileid.u32  }
0x88: {  	s1 =	rddreg [dreg:$0x1];
	p0 =	sne.s32 s2, $0x0  }
0x89: {  	s3 =	rddreg [dreg:$0x2];
	[bflag:$0x3] =	sbarrier.arrive $0xFFFF;
	s2 =	simm.s32 @!p0 $0x1C03  }
0x8a: {  	[timem:s3], [sflag:s2] =	dma.local @!p0 [hbm:s0], s1  }
0x8b: {  	s0 =	simm.s32 @!p0 $0x3  }
0x8c: {  	_ =	swait.ge @!p0 [sflag:s0], s1  }
0x8d: {  	s1 =	ssub.s32 @!p0 $0x0, s1;
	[sflag:s0] =	ssyncset.done @!p0 $0x0  }
0x8e: {  	[sflag:s0] =	ssyncadd.s32 @!p0 s1  }
0x8f: {  	[bflag:$0x3] =	sbarrier.arrive $0xFFFF  }
0x90: {  	_ =	shalt  }

</sc_bundles>
